<compile_context>
chip_gen: v7x
topology: tpu7x:2x2x1
jax: 0.10.2.dev20260603
libtpu: 0.0.44.dev20260713+nightly
codegen_flags: <defaults>
</compile_context>

<pallas_src>
import functools

import jax
import jax.numpy as jnp
from jax import lax
from jax.experimental import pallas as pl
from jax.experimental.pallas import tpu as pltpu
from jax.experimental.pallas import tpu_sc as plsc

NUM_FIELDS = 26
FIELD_DIM = 40000
BATCH = 16384
NC = 2
NS = 16
B_PER_CORE = BATCH // NC
B_PER_TILE = B_PER_CORE // NS
L = 16
TAB_NROW = 8128
TAB_ROWS = 320


def _tab_window(f):
    flat0 = f * FIELD_DIM
    row_start = jnp.minimum((flat0 >> 10) << 3, TAB_NROW - TAB_ROWS)
    row_start = pl.multiple_of(row_start, 8)
    rem = flat0 - (row_start << 7)
    return row_start, rem


def _sc_body(xT, table, bias, out, tab_v, tab2_v, idx1_v, idx2_v, part_v,
             tmp16_v, out_v, bias_v, shared_p, sem_i1, sem_i2, sem_t, sem_t2,
             sem_p):
    c = lax.axis_index("c")
    s = lax.axis_index("s")
    base_b = c * B_PER_CORE
    two = s < NUM_FIELDS - NS
    f1 = s
    f2 = jnp.minimum(s + NS, NUM_FIELDS - 1)

    with jax.named_scope("fire_dmas"):
        d_i1 = pltpu.async_copy(xT.at[f1, pl.ds(base_b, B_PER_CORE)], idx1_v,
                                sem_i1)
        row1, rem1 = _tab_window(f1)
        d_t1 = pltpu.async_copy(table.at[pl.ds(row1, TAB_ROWS)], tab_v, sem_t)
        pltpu.sync_copy(bias, bias_v)
        d_i1.wait()
        d_t1.wait()
        row2, rem2 = _tab_window(f2)

        @pl.when(two)
        def _fire_second():
            pltpu.async_copy(xT.at[f2, pl.ds(base_b, B_PER_CORE)], idx2_v,
                             sem_i2)
            pltpu.async_copy(table.at[pl.ds(row2, TAB_ROWS)], tab2_v, sem_t2)

    with jax.named_scope("gather1"):
        @plsc.parallel_loop(0, B_PER_CORE // L, unroll=8)
        def _gather1(j):
            sl = pl.ds(j * L, L)
            w = idx1_v[sl] + rem1
            part_v[sl] = plsc.load_gather(tab_v, [w >> 7, w & 127])

    @pl.when(two)
    def _second_field():
        with jax.named_scope("drain2"):
            pltpu.make_async_copy(xT.at[f2, pl.ds(base_b, B_PER_CORE)],
                                  idx2_v, sem_i2).wait()
            pltpu.make_async_copy(table.at[pl.ds(row2, TAB_ROWS)], tab2_v,
                                  sem_t2).wait()
        with jax.named_scope("gather2"):
            @plsc.parallel_loop(0, B_PER_CORE // L, unroll=8)
            def _gather2(j):
                sl = pl.ds(j * L, L)
                w = idx2_v[sl] + rem2
                plsc.addupdate(part_v.at[sl],
                               plsc.load_gather(tab2_v, [w >> 7, w & 127]))

    with jax.named_scope("publish"):
        descs = []
        for r in range(NS):
            descs.append(pltpu.async_copy(
                part_v.at[pl.ds(r * B_PER_TILE, B_PER_TILE)],
                shared_p.at[pl.ds(r * B_PER_CORE + s * B_PER_TILE,
                                  B_PER_TILE)],
                sem_p))
        for d in descs:
            d.wait()
    with jax.named_scope("barrier"):
        plsc.subcore_barrier()

    with jax.named_scope("reduce"):
        pltpu.sync_copy(shared_p.at[pl.ds(s * B_PER_CORE, B_PER_CORE)],
                        tmp16_v)
        bias_vec = bias_v[...]

        @plsc.parallel_loop(0, B_PER_TILE // L, unroll=2)
        def _acc(j):
            acc = bias_vec
            for t in range(NS):
                acc = acc + tmp16_v[pl.ds(t * B_PER_TILE + j * L, L)]
            out_v[pl.ds(j * L, L)] = acc

    with jax.named_scope("out_dma"):
        pltpu.sync_copy(out_v,
                        out.at[pl.ds(base_b + s * B_PER_TILE, B_PER_TILE)])


_sc_kernel = functools.partial(
    pl.kernel,
    out_type=jax.ShapeDtypeStruct((BATCH,), jnp.float32),
    mesh=plsc.VectorSubcoreMesh(core_axis_name="c", subcore_axis_name="s",
                                num_cores=NC, num_subcores=NS),
    scratch_types=[
        pltpu.VMEM((TAB_ROWS, 128), jnp.float32),
        pltpu.VMEM((TAB_ROWS, 128), jnp.float32),
        pltpu.VMEM((B_PER_CORE,), jnp.int32),
        pltpu.VMEM((B_PER_CORE,), jnp.int32),
        pltpu.VMEM((B_PER_CORE,), jnp.float32),
        pltpu.VMEM((B_PER_CORE,), jnp.float32),
        pltpu.VMEM((B_PER_TILE,), jnp.float32),
        pltpu.VMEM((L,), jnp.float32),
        pltpu.VMEM_SHARED((NS * B_PER_CORE,), jnp.float32),
        pltpu.SemaphoreType.DMA,
        pltpu.SemaphoreType.DMA,
        pltpu.SemaphoreType.DMA,
        pltpu.SemaphoreType.DMA,
        pltpu.SemaphoreType.DMA,
    ],
    compiler_params=pltpu.CompilerParams(needs_layout_passes=False),
)(_sc_body)


@jax.jit
def kernel(x, fc_weight, bias):
    xT = x.astype(jnp.int32).T
    fcp = jnp.pad(fc_weight.astype(jnp.float32), ((0, 384), (0, 0)))
    table = fcp.reshape(TAB_NROW, 128)
    bias16 = jnp.broadcast_to(bias.astype(jnp.float32), (L,))
    out = _sc_kernel(xT, table, bias16)
    return out.reshape(BATCH, 1)

# --- scband reference (transcript-rebuilt; emitter-appended) ---
"""Pipeline reference for scband-features-linear-7980049236073 (READ-ONLY COPY).

The authoritative reference and input builder live on the scoring server;
editing this copy changes nothing except your own understanding.
"""

import jax, jax.numpy as jnp
import numpy as np

FIELD_DIMS = [40000] * 26
OUTPUT_DIM = 1
BATCH = 16384
NUM_FIELDS = len(FIELD_DIMS)
TOTAL_ROWS = sum(FIELD_DIMS)


def setup_inputs(seed: int = 0) -> dict:
    key = jax.random.key(seed)
    k_x, k_w = jax.random.split(key)
    # indices per field, each in [0, field_dim); offsets added inside reference
    x = jax.random.randint(k_x, (BATCH, NUM_FIELDS), 0, 40000, dtype=jnp.int64)
    fc_weight = jax.random.normal(k_w, (TOTAL_ROWS, OUTPUT_DIM), dtype=jnp.float32) * 0.01
    bias = jnp.zeros((OUTPUT_DIM,), dtype=jnp.float32)
    return {"x": x, "fc_weight": fc_weight, "bias": bias}


def reference(x, fc_weight, bias):
    # offsets = (0, cumsum(field_dims)[:-1])
    offsets = jnp.asarray(
        np.concatenate([[0], np.cumsum(np.array(FIELD_DIMS, dtype=np.int64))[:-1]]),
        dtype=x.dtype,
    )
    idx = x + offsets[None, :]                      # (B, F)
    emb = jnp.take(fc_weight, idx, axis=0)          # (B, F, output_dim) gather
    out = jnp.sum(emb, axis=1) + bias               # (B, output_dim)
    return out

if __name__ == "__main__":
    import jax
    _d = setup_inputs()
    print(jax.jit(kernel)(*tuple(_d.values())))

</pallas_src>

<mosaic_0001>
#map = affine_map<(d0, d1) -> (0, 0)>
#map1 = affine_map<(d0, d1) -> (0)>
module attributes {stable_mosaic.version = 14 : i64} {
  func.func @_sc_body(%arg0: i32, %arg1: i32, %arg2: memref<26x16384xi32, #tpu.memory_space<hbm>>, %arg3: memref<8128x128xf32, #tpu.memory_space<hbm>>, %arg4: memref<16xf32, #tpu.memory_space<hbm>>, %arg5: memref<16384xf32, #tpu.memory_space<hbm>>, %arg6: memref<320x128xf32, #tpu.memory_space<vmem>>, %arg7: memref<320x128xf32, #tpu.memory_space<vmem>>, %arg8: memref<8192xi32, #tpu.memory_space<vmem>>, %arg9: memref<8192xi32, #tpu.memory_space<vmem>>, %arg10: memref<8192xf32, #tpu.memory_space<vmem>>, %arg11: memref<8192xf32, #tpu.memory_space<vmem>>, %arg12: memref<512xf32, #tpu.memory_space<vmem>>, %arg13: memref<16xf32, #tpu.memory_space<vmem>>, %arg14: memref<131072xf32, #tpu.memory_space<vmem_shared>>, %arg15: memref<!tpu.dma_semaphore, #tpu.memory_space<semaphore_mem>>, %arg16: memref<!tpu.dma_semaphore, #tpu.memory_space<semaphore_mem>>, %arg17: memref<!tpu.dma_semaphore, #tpu.memory_space<semaphore_mem>>, %arg18: memref<!tpu.dma_semaphore, #tpu.memory_space<semaphore_mem>>, %arg19: memref<!tpu.dma_semaphore, #tpu.memory_space<semaphore_mem>>) attributes {dimension_semantics = [#tpu.dimension_semantics<core_parallel>, #tpu.dimension_semantics<subcore_parallel>], iteration_bounds = array<i64: 2, 16>, scalar_prefetch = 0 : i64, scratch_operands = 14 : i64, tpu.core_type = #tpu.core_type<sc_vector_subcore>, window_params = [{transform_indices = #map}, {transform_indices = #map}, {transform_indices = #map1}, {transform_indices = #map1}]} {
    %mul3A = arith.constant 8192 : i32
    %mul3A_0 = arith.muli %arg0, %mul3A : i32
    %lt3A = arith.constant 10 : i32
    %lt3A_1 = arith.cmpi slt, %arg1, %lt3A : i32
    %add3A = arith.constant 16 : i32
    %add3A_2 = arith.addi %arg1, %add3A : i32
    %min3A = arith.constant 25 : i32
    %min3A_3 = arith.minsi %add3A_2, %min3A : i32
    "tpu.trace_start"() <{level = 10 : i32, message = "fire_dmas"}> : () -> ()
    %dma_start3A = tpu.memref_slice %arg2[%arg1, %mul3A_0] : memref<26x16384xi32, #tpu.memory_space<hbm>> -> memref<1x8192xi32, #tpu.memory_space<hbm>>
    %dma_start3A_4 = tpu.memref_squeeze %dma_start3A : memref<1x8192xi32, #tpu.memory_space<hbm>> -> memref<8192xi32, #tpu.memory_space<hbm>>
    %dma_start3A_5 = tpu.memref_slice %arg2[%arg1, %mul3A_0] : memref<26x16384xi32, #tpu.memory_space<hbm>> -> memref<1x8192xi32, #tpu.memory_space<hbm>>
    %dma_start3A_6 = tpu.memref_squeeze %dma_start3A_5 : memref<1x8192xi32, #tpu.memory_space<hbm>> -> memref<8192xi32, #tpu.memory_space<hbm>>
    tpu.enqueue_dma source(%dma_start3A_6 : memref<8192xi32, #tpu.memory_space<hbm>>) target(%arg8 : memref<8192xi32, #tpu.memory_space<vmem>>) target_semaphore(%arg15 : memref<!tpu.dma_semaphore, #tpu.memory_space<semaphore_mem>>)
    %mul3A_7 = arith.constant 40000 : i32
    %mul3A_8 = arith.muli %arg1, %mul3A_7 : i32
    %shift_right_arithmetic3A = arith.constant 10 : i32
    %shift_right_arithmetic3A_9 = arith.shrsi %mul3A_8, %shift_right_arithmetic3A : i32
    %shift_left3A = arith.constant 3 : i32
    %shift_left3A_10 = arith.shli %shift_right_arithmetic3A_9, %shift_left3A : i32
    %min3A_11 = arith.constant 7808 : i32
    %min3A_12 = arith.minsi %shift_left3A_10, %min3A_11 : i32
    %multiple_of3A = tpu.assume_multiple %min3A_12, 8 : i32
    %shift_left3A_13 = arith.constant 7 : i32
    %shift_left3A_14 = arith.shli %multiple_of3A, %shift_left3A_13 : i32
    %sub3A = arith.subi %mul3A_8, %shift_left3A_14 : i32
    %dma_start3A_15 = arith.constant 0 : i32
    %dma_start3A_16 = tpu.memref_slice %arg3[%multiple_of3A, %dma_start3A_15] : memref<8128x128xf32, #tpu.memory_space<hbm>> -> memref<320x128xf32, #tpu.memory_space<hbm>>
    %dma_start3A_17 = arith.constant 0 : i32
    %dma_start3A_18 = tpu.memref_slice %arg3[%multiple_of3A, %dma_start3A_17] : memref<8128x128xf32, #tpu.memory_space<hbm>> -> memref<320x128xf32, #tpu.memory_space<hbm>>
    tpu.enqueue_dma source(%dma_start3A_18 : memref<320x128xf32, #tpu.memory_space<hbm>>) target(%arg6 : memref<320x128xf32, #tpu.memory_space<vmem>>) target_semaphore(%arg17 : memref<!tpu.dma_semaphore, #tpu.memory_space<semaphore_mem>>)
    "tpu.region"() ({
      %run_scoped3A = tpu.sem_alloc : memref<!tpu.dma_semaphore, #tpu.memory_space<semaphore_mem>>
      tpu.enqueue_dma source(%arg4 : memref<16xf32, #tpu.memory_space<hbm>>) target(%arg13 : memref<16xf32, #tpu.memory_space<vmem>>) target_semaphore(%run_scoped3A : memref<!tpu.dma_semaphore, #tpu.memory_space<semaphore_mem>>)
      tpu.wait_dma2 semaphore(%run_scoped3A : memref<!tpu.dma_semaphore, #tpu.memory_space<semaphore_mem>>) src(%arg4 : memref<16xf32, #tpu.memory_space<hbm>>) dst(%arg13 : memref<16xf32, #tpu.memory_space<vmem>>)
      tpu.yield
    }) : () -> ()
    %dma_wait3A = tpu.memref_slice %arg2[%arg1, %mul3A_0] : memref<26x16384xi32, #tpu.memory_space<hbm>> -> memref<1x8192xi32, #tpu.memory_space<hbm>>
    %dma_wait3A_19 = tpu.memref_squeeze %dma_wait3A : memref<1x8192xi32, #tpu.memory_space<hbm>> -> memref<8192xi32, #tpu.memory_space<hbm>>
    %dma_wait3A_20 = tpu.memref_slice %arg2[%arg1, %mul3A_0] : memref<26x16384xi32, #tpu.memory_space<hbm>> -> memref<1x8192xi32, #tpu.memory_space<hbm>>
    %dma_wait3A_21 = tpu.memref_squeeze %dma_wait3A_20 : memref<1x8192xi32, #tpu.memory_space<hbm>> -> memref<8192xi32, #tpu.memory_space<hbm>>
    tpu.wait_dma2 semaphore(%arg15 : memref<!tpu.dma_semaphore, #tpu.memory_space<semaphore_mem>>) src(%dma_wait3A_21 : memref<8192xi32, #tpu.memory_space<hbm>>) dst(%arg8 : memref<8192xi32, #tpu.memory_space<vmem>>)
    %dma_wait3A_22 = arith.constant 0 : i32
    %dma_wait3A_23 = tpu.memref_slice %arg3[%multiple_of3A, %dma_wait3A_22] : memref<8128x128xf32, #tpu.memory_space<hbm>> -> memref<320x128xf32, #tpu.memory_space<hbm>>
    %dma_wait3A_24 = arith.constant 0 : i32
    %dma_wait3A_25 = tpu.memref_slice %arg3[%multiple_of3A, %dma_wait3A_24] : memref<8128x128xf32, #tpu.memory_space<hbm>> -> memref<320x128xf32, #tpu.memory_space<hbm>>
    tpu.wait_dma2 semaphore(%arg17 : memref<!tpu.dma_semaphore, #tpu.memory_space<semaphore_mem>>) src(%dma_wait3A_25 : memref<320x128xf32, #tpu.memory_space<hbm>>) dst(%arg6 : memref<320x128xf32, #tpu.memory_space<vmem>>)
    %mul3A_26 = arith.constant 40000 : i32
    %mul3A_27 = arith.muli %min3A_3, %mul3A_26 : i32
    %shift_right_arithmetic3A_28 = arith.constant 10 : i32
    %shift_right_arithmetic3A_29 = arith.shrsi %mul3A_27, %shift_right_arithmetic3A_28 : i32
    %shift_left3A_30 = arith.constant 3 : i32
    %shift_left3A_31 = arith.shli %shift_right_arithmetic3A_29, %shift_left3A_30 : i32
    %min3A_32 = arith.constant 7808 : i32
    %min3A_33 = arith.minsi %shift_left3A_31, %min3A_32 : i32
    %multiple_of3A_34 = tpu.assume_multiple %min3A_33, 8 : i32
    %shift_left3A_35 = arith.constant 7 : i32
    %shift_left3A_36 = arith.shli %multiple_of3A_34, %shift_left3A_35 : i32
    %sub3A_37 = arith.subi %mul3A_27, %shift_left3A_36 : i32
    %convert_element_type3A = arith.extui %lt3A_1 : i1 to i32
    %cond3A = arith.constant 0 : i32
    %cond3A_38 = arith.cmpi ne, %convert_element_type3A, %cond3A : i32
    scf.if %cond3A_38 {
      %dma_start3A_309 = tpu.memref_slice %arg2[%min3A_3, %mul3A_0] : memref<26x16384xi32, #tpu.memory_space<hbm>> -> memref<1x8192xi32, #tpu.memory_space<hbm>>
      %dma_start3A_310 = tpu.memref_squeeze %dma_start3A_309 : memref<1x8192xi32, #tpu.memory_space<hbm>> -> memref<8192xi32, #tpu.memory_space<hbm>>
      %dma_start3A_311 = tpu.memref_slice %arg2[%min3A_3, %mul3A_0] : memref<26x16384xi32, #tpu.memory_space<hbm>> -> memref<1x8192xi32, #tpu.memory_space<hbm>>
      %dma_start3A_312 = tpu.memref_squeeze %dma_start3A_311 : memref<1x8192xi32, #tpu.memory_space<hbm>> -> memref<8192xi32, #tpu.memory_space<hbm>>
      tpu.enqueue_dma source(%dma_start3A_312 : memref<8192xi32, #tpu.memory_space<hbm>>) target(%arg9 : memref<8192xi32, #tpu.memory_space<vmem>>) target_semaphore(%arg16 : memref<!tpu.dma_semaphore, #tpu.memory_space<semaphore_mem>>)
      %dma_start3A_313 = arith.constant 0 : i32
      %dma_start3A_314 = tpu.memref_slice %arg3[%multiple_of3A_34, %dma_start3A_313] : memref<8128x128xf32, #tpu.memory_space<hbm>> -> memref<320x128xf32, #tpu.memory_space<hbm>>
      %dma_start3A_315 = arith.constant 0 : i32
      %dma_start3A_316 = tpu.memref_slice %arg3[%multiple_of3A_34, %dma_start3A_315] : memref<8128x128xf32, #tpu.memory_space<hbm>> -> memref<320x128xf32, #tpu.memory_space<hbm>>
      tpu.enqueue_dma source(%dma_start3A_316 : memref<320x128xf32, #tpu.memory_space<hbm>>) target(%arg7 : memref<320x128xf32, #tpu.memory_space<vmem>>) target_semaphore(%arg18 : memref<!tpu.dma_semaphore, #tpu.memory_space<semaphore_mem>>)
    } else {
    }
    %parallel_loop3A = arith.constant 0 : i32
    %parallel_loop3A_39 = arith.constant 512 : i32
    %parallel_loop3A_40 = arith.constant 1 : i32
    "tpu.trace_stop"() : () -> ()
    "tpu.trace_start"() <{level = 10 : i32, message = "gather1"}> : () -> ()
    scf.for %parallel_loop3A_309 = %parallel_loop3A to %parallel_loop3A_39 step %parallel_loop3A_40  : i32 {
      %parallel_loop3A_310 = arith.constant 16 : i32
      %parallel_loop3A_311 = arith.muli %parallel_loop3A_309, %parallel_loop3A_310 : i32
      %parallel_loop3A_312 = arith.index_cast %parallel_loop3A_311 : i32 to index
      %parallel_loop3A_313 = tpu.vector_load %arg8[%parallel_loop3A_312] {strides = array<i32>} : memref<8192xi32, #tpu.memory_space<vmem>>, vector<16xi32>,
      %parallel_loop3A_314 = vector.broadcast %sub3A : i32 to vector<16xi32>
      %parallel_loop3A_315 = arith.addi %parallel_loop3A_313, %parallel_loop3A_314 : vector<16xi32>
      %parallel_loop3A_316 = arith.constant 7 : i32
      %parallel_loop3A_317 = vector.broadcast %parallel_loop3A_316 : i32 to vector<16xi32>
      %parallel_loop3A_318 = arith.shrsi %parallel_loop3A_315, %parallel_loop3A_317 : vector<16xi32>
      %parallel_loop3A_319 = arith.constant 127 : i32
      %parallel_loop3A_320 = vector.broadcast %parallel_loop3A_319 : i32 to vector<16xi32>
      %parallel_loop3A_321 = arith.andi %parallel_loop3A_315, %parallel_loop3A_320 : vector<16xi32>
      %parallel_loop3A_322 = tpu.vector_load_idx %arg6[%parallel_loop3A_318, %parallel_loop3A_321] : memref<320x128xf32, #tpu.memory_space<vmem>>[vector<16xi32>, vector<16xi32>], vector<16xf32>,
      %parallel_loop3A_323 = arith.index_cast %parallel_loop3A_311 : i32 to index
      %parallel_loop3A_324 = tpu.vector_load %arg10[%parallel_loop3A_323] {strides = array<i32>} : memref<8192xf32, #tpu.memory_space<vmem>>, vector<16xf32>,
      tpu.vector_store %arg10[%parallel_loop3A_323], %parallel_loop3A_322 {strides = array<i32>} : memref<8192xf32, #tpu.memory_space<vmem>>, vector<16xf32>,
    } {sc.loop_unroll_factor = 8 : i64, sc.parallel_access}
    "tpu.trace_stop"() : () -> ()
    %convert_element_type3A_41 = arith.extui %lt3A_1 : i1 to i32
    %cond3A_42 = arith.constant 0 : i32
    %cond3A_43 = arith.cmpi ne, %convert_element_type3A_41, %cond3A_42 : i32
    scf.if %cond3A_43 {
      "tpu.trace_start"() <{level = 10 : i32, message = "drain2"}> : () -> ()
      %dma_wait3A_309 = tpu.memref_slice %arg2[%min3A_3, %mul3A_0] : memref<26x16384xi32, #tpu.memory_space<hbm>> -> memref<1x8192xi32, #tpu.memory_space<hbm>>
      %dma_wait3A_310 = tpu.memref_squeeze %dma_wait3A_309 : memref<1x8192xi32, #tpu.memory_space<hbm>> -> memref<8192xi32, #tpu.memory_space<hbm>>
      %dma_wait3A_311 = tpu.memref_slice %arg2[%min3A_3, %mul3A_0] : memref<26x16384xi32, #tpu.memory_space<hbm>> -> memref<1x8192xi32, #tpu.memory_space<hbm>>
      %dma_wait3A_312 = tpu.memref_squeeze %dma_wait3A_311 : memref<1x8192xi32, #tpu.memory_space<hbm>> -> memref<8192xi32, #tpu.memory_space<hbm>>
      tpu.wait_dma2 semaphore(%arg16 : memref<!tpu.dma_semaphore, #tpu.memory_space<semaphore_mem>>) src(%dma_wait3A_312 : memref<8192xi32, #tpu.memory_space<hbm>>) dst(%arg9 : memref<8192xi32, #tpu.memory_space<vmem>>)
      %dma_wait3A_313 = arith.constant 0 : i32
      %dma_wait3A_314 = tpu.memref_slice %arg3[%multiple_of3A_34, %dma_wait3A_313] : memref<8128x128xf32, #tpu.memory_space<hbm>> -> memref<320x128xf32, #tpu.memory_space<hbm>>
      %dma_wait3A_315 = arith.constant 0 : i32
      %dma_wait3A_316 = tpu.memref_slice %arg3[%multiple_of3A_34, %dma_wait3A_315] : memref<8128x128xf32, #tpu.memory_space<hbm>> -> memref<320x128xf32, #tpu.memory_space<hbm>>
      tpu.wait_dma2 semaphore(%arg18 : memref<!tpu.dma_semaphore, #tpu.memory_space<semaphore_mem>>) src(%dma_wait3A_316 : memref<320x128xf32, #tpu.memory_space<hbm>>) dst(%arg7 : memref<320x128xf32, #tpu.memory_space<vmem>>)
      %parallel_loop3A_317 = arith.constant 0 : i32
      %parallel_loop3A_318 = arith.constant 512 : i32
      %parallel_loop3A_319 = arith.constant 1 : i32
      "tpu.trace_stop"() : () -> ()
      "tpu.trace_start"() <{level = 10 : i32, message = "gather2"}> : () -> ()
      scf.for %parallel_loop3A_320 = %parallel_loop3A_317 to %parallel_loop3A_318 step %parallel_loop3A_319  : i32 {
        %parallel_loop3A_321 = arith.constant 16 : i32
        %parallel_loop3A_322 = arith.muli %parallel_loop3A_320, %parallel_loop3A_321 : i32
        %parallel_loop3A_323 = arith.index_cast %parallel_loop3A_322 : i32 to index
        %parallel_loop3A_324 = tpu.vector_load %arg9[%parallel_loop3A_323] {strides = array<i32>} : memref<8192xi32, #tpu.memory_space<vmem>>, vector<16xi32>,
        %parallel_loop3A_325 = vector.broadcast %sub3A_37 : i32 to vector<16xi32>
        %parallel_loop3A_326 = arith.addi %parallel_loop3A_324, %parallel_loop3A_325 : vector<16xi32>
        %parallel_loop3A_327 = arith.constant 7 : i32
        %parallel_loop3A_328 = vector.broadcast %parallel_loop3A_327 : i32 to vector<16xi32>
        %parallel_loop3A_329 = arith.shrsi %parallel_loop3A_326, %parallel_loop3A_328 : vector<16xi32>
        %parallel_loop3A_330 = arith.constant 127 : i32
        %parallel_loop3A_331 = vector.broadcast %parallel_loop3A_330 : i32 to vector<16xi32>
        %parallel_loop3A_332 = arith.andi %parallel_loop3A_326, %parallel_loop3A_331 : vector<16xi32>
        %parallel_loop3A_333 = tpu.vector_load_idx %arg7[%parallel_loop3A_329, %parallel_loop3A_332] : memref<320x128xf32, #tpu.memory_space<vmem>>[vector<16xi32>, vector<16xi32>], vector<16xf32>,
        %parallel_loop3A_334 = arith.index_cast %parallel_loop3A_322 : i32 to index
        %parallel_loop3A_335 = tpu.vector_load %arg10[%parallel_loop3A_334] {strides = array<i32>} : memref<8192xf32, #tpu.memory_space<vmem>>, vector<16xf32>,
        tpu.vector_store %arg10[%parallel_loop3A_334], %parallel_loop3A_333 {add = true, strides = array<i32>} : memref<8192xf32, #tpu.memory_space<vmem>>, vector<16xf32>,
      } {sc.loop_unroll_factor = 8 : i64, sc.parallel_access}
      "tpu.trace_stop"() : () -> ()
    } else {
    }
    "tpu.trace_start"() <{level = 10 : i32, message = "publish"}> : () -> ()
    %mul3A_44 = arith.constant 512 : i32
    %mul3A_45 = arith.muli %arg1, %mul3A_44 : i32
    %add3A_46 = arith.constant 0 : i32
    %add3A_47 = arith.addi %add3A_46, %mul3A_45 : i32
    %dma_start3A_48 = arith.constant 0 : i32
    %dma_start3A_49 = tpu.memref_slice %arg10[%dma_start3A_48] : memref<8192xf32, #tpu.memory_space<vmem>> -> memref<512xf32, #tpu.memory_space<vmem>>
    %dma_start3A_50 = tpu.memref_slice %arg14[%add3A_47] : memref<131072xf32, #tpu.memory_space<vmem_shared>> -> memref<512xf32, #tpu.memory_space<vmem_shared>>
    %dma_start3A_51 = tpu.memref_slice %arg14[%add3A_47] : memref<131072xf32, #tpu.memory_space<vmem_shared>> -> memref<512xf32, #tpu.memory_space<vmem_shared>>
    %dma_start3A_52 = arith.constant 0 : i32
    %dma_start3A_53 = tpu.memref_slice %arg10[%dma_start3A_52] : memref<8192xf32, #tpu.memory_space<vmem>> -> memref<512xf32, #tpu.memory_space<vmem>>
    tpu.enqueue_dma source(%dma_start3A_53 : memref<512xf32, #tpu.memory_space<vmem>>) target(%dma_start3A_51 : memref<512xf32, #tpu.memory_space<vmem_shared>>) target_semaphore(%arg19 : memref<!tpu.dma_semaphore, #tpu.memory_space<semaphore_mem>>)
    %mul3A_54 = arith.constant 512 : i32
    %mul3A_55 = arith.muli %arg1, %mul3A_54 : i32
    %add3A_56 = arith.constant 8192 : i32
    %add3A_57 = arith.addi %add3A_56, %mul3A_55 : i32
    %dma_start3A_58 = arith.constant 512 : i32
    %dma_start3A_59 = tpu.memref_slice %arg10[%dma_start3A_58] : memref<8192xf32, #tpu.memory_space<vmem>> -> memref<512xf32, #tpu.memory_space<vmem>>
    %dma_start3A_60 = tpu.memref_slice %arg14[%add3A_57] : memref<131072xf32, #tpu.memory_space<vmem_shared>> -> memref<512xf32, #tpu.memory_space<vmem_shared>>
    %dma_start3A_61 = tpu.memref_slice %arg14[%add3A_57] : memref<131072xf32, #tpu.memory_space<vmem_shared>> -> memref<512xf32, #tpu.memory_space<vmem_shared>>
    %dma_start3A_62 = arith.constant 512 : i32
    %dma_start3A_63 = tpu.memref_slice %arg10[%dma_start3A_62] : memref<8192xf32, #tpu.memory_space<vmem>> -> memref<512xf32, #tpu.memory_space<vmem>>
    tpu.enqueue_dma source(%dma_start3A_63 : memref<512xf32, #tpu.memory_space<vmem>>) target(%dma_start3A_61 : memref<512xf32, #tpu.memory_space<vmem_shared>>) target_semaphore(%arg19 : memref<!tpu.dma_semaphore, #tpu.memory_space<semaphore_mem>>)
    %mul3A_64 = arith.constant 512 : i32
    %mul3A_65 = arith.muli %arg1, %mul3A_64 : i32
    %add3A_66 = arith.constant 16384 : i32
    %add3A_67 = arith.addi %add3A_66, %mul3A_65 : i32
    %dma_start3A_68 = arith.constant 1024 : i32
    %dma_start3A_69 = tpu.memref_slice %arg10[%dma_start3A_68] : memref<8192xf32, #tpu.memory_space<vmem>> -> memref<512xf32, #tpu.memory_space<vmem>>
    %dma_start3A_70 = tpu.memref_slice %arg14[%add3A_67] : memref<131072xf32, #tpu.memory_space<vmem_shared>> -> memref<512xf32, #tpu.memory_space<vmem_shared>>
    %dma_start3A_71 = tpu.memref_slice %arg14[%add3A_67] : memref<131072xf32, #tpu.memory_space<vmem_shared>> -> memref<512xf32, #tpu.memory_space<vmem_shared>>
    %dma_start3A_72 = arith.constant 1024 : i32
    %dma_start3A_73 = tpu.memref_slice %arg10[%dma_start3A_72] : memref<8192xf32, #tpu.memory_space<vmem>> -> memref<512xf32, #tpu.memory_space<vmem>>
    tpu.enqueue_dma source(%dma_start3A_73 : memref<512xf32, #tpu.memory_space<vmem>>) target(%dma_start3A_71 : memref<512xf32, #tpu.memory_space<vmem_shared>>) target_semaphore(%arg19 : memref<!tpu.dma_semaphore, #tpu.memory_space<semaphore_mem>>)
    %mul3A_74 = arith.constant 512 : i32
    %mul3A_75 = arith.muli %arg1, %mul3A_74 : i32
    %add3A_76 = arith.constant 24576 : i32
    %add3A_77 = arith.addi %add3A_76, %mul3A_75 : i32
    %dma_start3A_78 = arith.constant 1536 : i32
    %dma_start3A_79 = tpu.memref_slice %arg10[%dma_start3A_78] : memref<8192xf32, #tpu.memory_space<vmem>> -> memref<512xf32, #tpu.memory_space<vmem>>
    %dma_start3A_80 = tpu.memref_slice %arg14[%add3A_77] : memref<131072xf32, #tpu.memory_space<vmem_shared>> -> memref<512xf32, #tpu.memory_space<vmem_shared>>
    %dma_start3A_81 = tpu.memref_slice %arg14[%add3A_77] : memref<131072xf32, #tpu.memory_space<vmem_shared>> -> memref<512xf32, #tpu.memory_space<vmem_shared>>
    %dma_start3A_82 = arith.constant 1536 : i32
    %dma_start3A_83 = tpu.memref_slice %arg10[%dma_start3A_82] : memref<8192xf32, #tpu.memory_space<vmem>> -> memref<512xf32, #tpu.memory_space<vmem>>
    tpu.enqueue_dma source(%dma_start3A_83 : memref<512xf32, #tpu.memory_space<vmem>>) target(%dma_start3A_81 : memref<512xf32, #tpu.memory_space<vmem_shared>>) target_semaphore(%arg19 : memref<!tpu.dma_semaphore, #tpu.memory_space<semaphore_mem>>)
    %mul3A_84 = arith.constant 512 : i32
    %mul3A_85 = arith.muli %arg1, %mul3A_84 : i32
    %add3A_86 = arith.constant 32768 : i32
    %add3A_87 = arith.addi %add3A_86, %mul3A_85 : i32
    %dma_start3A_88 = arith.constant 2048 : i32
    %dma_start3A_89 = tpu.memref_slice %arg10[%dma_start3A_88] : memref<8192xf32, #tpu.memory_space<vmem>> -> memref<512xf32, #tpu.memory_space<vmem>>
    %dma_start3A_90 = tpu.memref_slice %arg14[%add3A_87] : memref<131072xf32, #tpu.memory_space<vmem_shared>> -> memref<512xf32, #tpu.memory_space<vmem_shared>>
    %dma_start3A_91 = tpu.memref_slice %arg14[%add3A_87] : memref<131072xf32, #tpu.memory_space<vmem_shared>> -> memref<512xf32, #tpu.memory_space<vmem_shared>>
    %dma_start3A_92 = arith.constant 2048 : i32
    %dma_start3A_93 = tpu.memref_slice %arg10[%dma_start3A_92] : memref<8192xf32, #tpu.memory_space<vmem>> -> memref<512xf32, #tpu.memory_space<vmem>>
    tpu.enqueue_dma source(%dma_start3A_93 : memref<512xf32, #tpu.memory_space<vmem>>) target(%dma_start3A_91 : memref<512xf32, #tpu.memory_space<vmem_shared>>) target_semaphore(%arg19 : memref<!tpu.dma_semaphore, #tpu.memory_space<semaphore_mem>>)
    %mul3A_94 = arith.constant 512 : i32
    %mul3A_95 = arith.muli %arg1, %mul3A_94 : i32
    %add3A_96 = arith.constant 40960 : i32
    %add3A_97 = arith.addi %add3A_96, %mul3A_95 : i32
    %dma_start3A_98 = arith.constant 2560 : i32
    %dma_start3A_99 = tpu.memref_slice %arg10[%dma_start3A_98] : memref<8192xf32, #tpu.memory_space<vmem>> -> memref<512xf32, #tpu.memory_space<vmem>>
    %dma_start3A_100 = tpu.memref_slice %arg14[%add3A_97] : memref<131072xf32, #tpu.memory_space<vmem_shared>> -> memref<512xf32, #tpu.memory_space<vmem_shared>>
    %dma_start3A_101 = tpu.memref_slice %arg14[%add3A_97] : memref<131072xf32, #tpu.memory_space<vmem_shared>> -> memref<512xf32, #tpu.memory_space<vmem_shared>>
    %dma_start3A_102 = arith.constant 2560 : i32
    %dma_start3A_103 = tpu.memref_slice %arg10[%dma_start3A_102] : memref<8192xf32, #tpu.memory_space<vmem>> -> memref<512xf32, #tpu.memory_space<vmem>>
    tpu.enqueue_dma source(%dma_start3A_103 : memref<512xf32, #tpu.memory_space<vmem>>) target(%dma_start3A_101 : memref<512xf32, #tpu.memory_space<vmem_shared>>) target_semaphore(%arg19 : memref<!tpu.dma_semaphore, #tpu.memory_space<semaphore_mem>>)
    %mul3A_104 = arith.constant 512 : i32
    %mul3A_105 = arith.muli %arg1, %mul3A_104 : i32
    %add3A_106 = arith.constant 49152 : i32
    %add3A_107 = arith.addi %add3A_106, %mul3A_105 : i32
    %dma_start3A_108 = arith.constant 3072 : i32
    %dma_start3A_109 = tpu.memref_slice %arg10[%dma_start3A_108] : memref<8192xf32, #tpu.memory_space<vmem>> -> memref<512xf32, #tpu.memory_space<vmem>>
    %dma_start3A_110 = tpu.memref_slice %arg14[%add3A_107] : memref<131072xf32, #tpu.memory_space<vmem_shared>> -> memref<512xf32, #tpu.memory_space<vmem_shared>>
    %dma_start3A_111 = tpu.memref_slice %arg14[%add3A_107] : memref<131072xf32, #tpu.memory_space<vmem_shared>> -> memref<512xf32, #tpu.memory_space<vmem_shared>>
    %dma_start3A_112 = arith.constant 3072 : i32
    %dma_start3A_113 = tpu.memref_slice %arg10[%dma_start3A_112] : memref<8192xf32, #tpu.memory_space<vmem>> -> memref<512xf32, #tpu.memory_space<vmem>>
    tpu.enqueue_dma source(%dma_start3A_113 : memref<512xf32, #tpu.memory_space<vmem>>) target(%dma_start3A_111 : memref<512xf32, #tpu.memory_space<vmem_shared>>) target_semaphore(%arg19 : memref<!tpu.dma_semaphore, #tpu.memory_space<semaphore_mem>>)
    %mul3A_114 = arith.constant 512 : i32
    %mul3A_115 = arith.muli %arg1, %mul3A_114 : i32
    %add3A_116 = arith.constant 57344 : i32
    %add3A_117 = arith.addi %add3A_116, %mul3A_115 : i32
    %dma_start3A_118 = arith.constant 3584 : i32
    %dma_start3A_119 = tpu.memref_slice %arg10[%dma_start3A_118] : memref<8192xf32, #tpu.memory_space<vmem>> -> memref<512xf32, #tpu.memory_space<vmem>>
    %dma_start3A_120 = tpu.memref_slice %arg14[%add3A_117] : memref<131072xf32, #tpu.memory_space<vmem_shared>> -> memref<512xf32, #tpu.memory_space<vmem_shared>>
    %dma_start3A_121 = tpu.memref_slice %arg14[%add3A_117] : memref<131072xf32, #tpu.memory_space<vmem_shared>> -> memref<512xf32, #tpu.memory_space<vmem_shared>>
    %dma_start3A_122 = arith.constant 3584 : i32
    %dma_start3A_123 = tpu.memref_slice %arg10[%dma_start3A_122] : memref<8192xf32, #tpu.memory_space<vmem>> -> memref<512xf32, #tpu.memory_space<vmem>>
    tpu.enqueue_dma source(%dma_start3A_123 : memref<512xf32, #tpu.memory_space<vmem>>) target(%dma_start3A_121 : memref<512xf32, #tpu.memory_space<vmem_shared>>) target_semaphore(%arg19 : memref<!tpu.dma_semaphore, #tpu.memory_space<semaphore_mem>>)
    %mul3A_124 = arith.constant 512 : i32
    %mul3A_125 = arith.muli %arg1, %mul3A_124 : i32
    %add3A_126 = arith.constant 65536 : i32
    %add3A_127 = arith.addi %add3A_126, %mul3A_125 : i32
    %dma_start3A_128 = arith.constant 4096 : i32
    %dma_start3A_129 = tpu.memref_slice %arg10[%dma_start3A_128] : memref<8192xf32, #tpu.memory_space<vmem>> -> memref<512xf32, #tpu.memory_space<vmem>>
    %dma_start3A_130 = tpu.memref_slice %arg14[%add3A_127] : memref<131072xf32, #tpu.memory_space<vmem_shared>> -> memref<512xf32, #tpu.memory_space<vmem_shared>>
    %dma_start3A_131 = tpu.memref_slice %arg14[%add3A_127] : memref<131072xf32, #tpu.memory_space<vmem_shared>> -> memref<512xf32, #tpu.memory_space<vmem_shared>>
    %dma_start3A_132 = arith.constant 4096 : i32
    %dma_start3A_133 = tpu.memref_slice %arg10[%dma_start3A_132] : memref<8192xf32, #tpu.memory_space<vmem>> -> memref<512xf32, #tpu.memory_space<vmem>>
    tpu.enqueue_dma source(%dma_start3A_133 : memref<512xf32, #tpu.memory_space<vmem>>) target(%dma_start3A_131 : memref<512xf32, #tpu.memory_space<vmem_shared>>) target_semaphore(%arg19 : memref<!tpu.dma_semaphore, #tpu.memory_space<semaphore_mem>>)
    %mul3A_134 = arith.constant 512 : i32
    %mul3A_135 = arith.muli %arg1, %mul3A_134 : i32
    %add3A_136 = arith.constant 73728 : i32
    %add3A_137 = arith.addi %add3A_136, %mul3A_135 : i32
    %dma_start3A_138 = arith.constant 4608 : i32
    %dma_start3A_139 = tpu.memref_slice %arg10[%dma_start3A_138] : memref<8192xf32, #tpu.memory_space<vmem>> -> memref<512xf32, #tpu.memory_space<vmem>>
    %dma_start3A_140 = tpu.memref_slice %arg14[%add3A_137] : memref<131072xf32, #tpu.memory_space<vmem_shared>> -> memref<512xf32, #tpu.memory_space<vmem_shared>>
    %dma_start3A_141 = tpu.memref_slice %arg14[%add3A_137] : memref<131072xf32, #tpu.memory_space<vmem_shared>> -> memref<512xf32, #tpu.memory_space<vmem_shared>>
    %dma_start3A_142 = arith.constant 4608 : i32
    %dma_start3A_143 = tpu.memref_slice %arg10[%dma_start3A_142] : memref<8192xf32, #tpu.memory_space<vmem>> -> memref<512xf32, #tpu.memory_space<vmem>>
    tpu.enqueue_dma source(%dma_start3A_143 : memref<512xf32, #tpu.memory_space<vmem>>) target(%dma_start3A_141 : memref<512xf32, #tpu.memory_space<vmem_shared>>) target_semaphore(%arg19 : memref<!tpu.dma_semaphore, #tpu.memory_space<semaphore_mem>>)
    %mul3A_144 = arith.constant 512 : i32
    %mul3A_145 = arith.muli %arg1, %mul3A_144 : i32
    %add3A_146 = arith.constant 81920 : i32
    %add3A_147 = arith.addi %add3A_146, %mul3A_145 : i32
    %dma_start3A_148 = arith.constant 5120 : i32
    %dma_start3A_149 = tpu.memref_slice %arg10[%dma_start3A_148] : memref<8192xf32, #tpu.memory_space<vmem>> -> memref<512xf32, #tpu.memory_space<vmem>>
    %dma_start3A_150 = tpu.memref_slice %arg14[%add3A_147] : memref<131072xf32, #tpu.memory_space<vmem_shared>> -> memref<512xf32, #tpu.memory_space<vmem_shared>>
    %dma_start3A_151 = tpu.memref_slice %arg14[%add3A_147] : memref<131072xf32, #tpu.memory_space<vmem_shared>> -> memref<512xf32, #tpu.memory_space<vmem_shared>>
    %dma_start3A_152 = arith.constant 5120 : i32
    %dma_start3A_153 = tpu.memref_slice %arg10[%dma_start3A_152] : memref<8192xf32, #tpu.memory_space<vmem>> -> memref<512xf32, #tpu.memory_space<vmem>>
    tpu.enqueue_dma source(%dma_start3A_153 : memref<512xf32, #tpu.memory_space<vmem>>) target(%dma_start3A_151 : memref<512xf32, #tpu.memory_space<vmem_shared>>) target_semaphore(%arg19 : memref<!tpu.dma_semaphore, #tpu.memory_space<semaphore_mem>>)
    %mul3A_154 = arith.constant 512 : i32
    %mul3A_155 = arith.muli %arg1, %mul3A_154 : i32
    %add3A_156 = arith.constant 90112 : i32
    %add3A_157 = arith.addi %add3A_156, %mul3A_155 : i32
    %dma_start3A_158 = arith.constant 5632 : i32
    %dma_start3A_159 = tpu.memref_slice %arg10[%dma_start3A_158] : memref<8192xf32, #tpu.memory_space<vmem>> -> memref<512xf32, #tpu.memory_space<vmem>>
    %dma_start3A_160 = tpu.memref_slice %arg14[%add3A_157] : memref<131072xf32, #tpu.memory_space<vmem_shared>> -> memref<512xf32, #tpu.memory_space<vmem_shared>>
    %dma_start3A_161 = tpu.memref_slice %arg14[%add3A_157] : memref<131072xf32, #tpu.memory_space<vmem_shared>> -> memref<512xf32, #tpu.memory_space<vmem_shared>>
    %dma_start3A_162 = arith.constant 5632 : i32
    %dma_start3A_163 = tpu.memref_slice %arg10[%dma_start3A_162] : memref<8192xf32, #tpu.memory_space<vmem>> -> memref<512xf32, #tpu.memory_space<vmem>>
    tpu.enqueue_dma source(%dma_start3A_163 : memref<512xf32, #tpu.memory_space<vmem>>) target(%dma_start3A_161 : memref<512xf32, #tpu.memory_space<vmem_shared>>) target_semaphore(%arg19 : memref<!tpu.dma_semaphore, #tpu.memory_space<semaphore_mem>>)
    %mul3A_164 = arith.constant 512 : i32
    %mul3A_165 = arith.muli %arg1, %mul3A_164 : i32
    %add3A_166 = arith.constant 98304 : i32
    %add3A_167 = arith.addi %add3A_166, %mul3A_165 : i32
    %dma_start3A_168 = arith.constant 6144 : i32
    %dma_start3A_169 = tpu.memref_slice %arg10[%dma_start3A_168] : memref<8192xf32, #tpu.memory_space<vmem>> -> memref<512xf32, #tpu.memory_space<vmem>>
    %dma_start3A_170 = tpu.memref_slice %arg14[%add3A_167] : memref<131072xf32, #tpu.memory_space<vmem_shared>> -> memref<512xf32, #tpu.memory_space<vmem_shared>>
    %dma_start3A_171 = tpu.memref_slice %arg14[%add3A_167] : memref<131072xf32, #tpu.memory_space<vmem_shared>> -> memref<512xf32, #tpu.memory_space<vmem_shared>>
    %dma_start3A_172 = arith.constant 6144 : i32
    %dma_start3A_173 = tpu.memref_slice %arg10[%dma_start3A_172] : memref<8192xf32, #tpu.memory_space<vmem>> -> memref<512xf32, #tpu.memory_space<vmem>>
    tpu.enqueue_dma source(%dma_start3A_173 : memref<512xf32, #tpu.memory_space<vmem>>) target(%dma_start3A_171 : memref<512xf32, #tpu.memory_space<vmem_shared>>) target_semaphore(%arg19 : memref<!tpu.dma_semaphore, #tpu.memory_space<semaphore_mem>>)
    %mul3A_174 = arith.constant 512 : i32
    %mul3A_175 = arith.muli %arg1, %mul3A_174 : i32
    %add3A_176 = arith.constant 106496 : i32
    %add3A_177 = arith.addi %add3A_176, %mul3A_175 : i32
    %dma_start3A_178 = arith.constant 6656 : i32
    %dma_start3A_179 = tpu.memref_slice %arg10[%dma_start3A_178] : memref<8192xf32, #tpu.memory_space<vmem>> -> memref<512xf32, #tpu.memory_space<vmem>>
    %dma_start3A_180 = tpu.memref_slice %arg14[%add3A_177] : memref<131072xf32, #tpu.memory_space<vmem_shared>> -> memref<512xf32, #tpu.memory_space<vmem_shared>>
    %dma_start3A_181 = tpu.memref_slice %arg14[%add3A_177] : memref<131072xf32, #tpu.memory_space<vmem_shared>> -> memref<512xf32, #tpu.memory_space<vmem_shared>>
    %dma_start3A_182 = arith.constant 6656 : i32
    %dma_start3A_183 = tpu.memref_slice %arg10[%dma_start3A_182] : memref<8192xf32, #tpu.memory_space<vmem>> -> memref<512xf32, #tpu.memory_space<vmem>>
    tpu.enqueue_dma source(%dma_start3A_183 : memref<512xf32, #tpu.memory_space<vmem>>) target(%dma_start3A_181 : memref<512xf32, #tpu.memory_space<vmem_shared>>) target_semaphore(%arg19 : memref<!tpu.dma_semaphore, #tpu.memory_space<semaphore_mem>>)
    %mul3A_184 = arith.constant 512 : i32
    %mul3A_185 = arith.muli %arg1, %mul3A_184 : i32
    %add3A_186 = arith.constant 114688 : i32
    %add3A_187 = arith.addi %add3A_186, %mul3A_185 : i32
    %dma_start3A_188 = arith.constant 7168 : i32
    %dma_start3A_189 = tpu.memref_slice %arg10[%dma_start3A_188] : memref<8192xf32, #tpu.memory_space<vmem>> -> memref<512xf32, #tpu.memory_space<vmem>>
    %dma_start3A_190 = tpu.memref_slice %arg14[%add3A_187] : memref<131072xf32, #tpu.memory_space<vmem_shared>> -> memref<512xf32, #tpu.memory_space<vmem_shared>>
    %dma_start3A_191 = tpu.memref_slice %arg14[%add3A_187] : memref<131072xf32, #tpu.memory_space<vmem_shared>> -> memref<512xf32, #tpu.memory_space<vmem_shared>>
    %dma_start3A_192 = arith.constant 7168 : i32
    %dma_start3A_193 = tpu.memref_slice %arg10[%dma_start3A_192] : memref<8192xf32, #tpu.memory_space<vmem>> -> memref<512xf32, #tpu.memory_space<vmem>>
    tpu.enqueue_dma source(%dma_start3A_193 : memref<512xf32, #tpu.memory_space<vmem>>) target(%dma_start3A_191 : memref<512xf32, #tpu.memory_space<vmem_shared>>) target_semaphore(%arg19 : memref<!tpu.dma_semaphore, #tpu.memory_space<semaphore_mem>>)
    %mul3A_194 = arith.constant 512 : i32
    %mul3A_195 = arith.muli %arg1, %mul3A_194 : i32
    %add3A_196 = arith.constant 122880 : i32
    %add3A_197 = arith.addi %add3A_196, %mul3A_195 : i32
    %dma_start3A_198 = arith.constant 7680 : i32
    %dma_start3A_199 = tpu.memref_slice %arg10[%dma_start3A_198] : memref<8192xf32, #tpu.memory_space<vmem>> -> memref<512xf32, #tpu.memory_space<vmem>>
    %dma_start3A_200 = tpu.memref_slice %arg14[%add3A_197] : memref<131072xf32, #tpu.memory_space<vmem_shared>> -> memref<512xf32, #tpu.memory_space<vmem_shared>>
    %dma_start3A_201 = tpu.memref_slice %arg14[%add3A_197] : memref<131072xf32, #tpu.memory_space<vmem_shared>> -> memref<512xf32, #tpu.memory_space<vmem_shared>>
    %dma_start3A_202 = arith.constant 7680 : i32
    %dma_start3A_203 = tpu.memref_slice %arg10[%dma_start3A_202] : memref<8192xf32, #tpu.memory_space<vmem>> -> memref<512xf32, #tpu.memory_space<vmem>>
    tpu.enqueue_dma source(%dma_start3A_203 : memref<512xf32, #tpu.memory_space<vmem>>) target(%dma_start3A_201 : memref<512xf32, #tpu.memory_space<vmem_shared>>) target_semaphore(%arg19 : memref<!tpu.dma_semaphore, #tpu.memory_space<semaphore_mem>>)
    %dma_wait3A_204 = arith.constant 0 : i32
    %dma_wait3A_205 = tpu.memref_slice %arg10[%dma_wait3A_204] : memref<8192xf32, #tpu.memory_space<vmem>> -> memref<512xf32, #tpu.memory_space<vmem>>
    %dma_wait3A_206 = tpu.memref_slice %arg14[%add3A_47] : memref<131072xf32, #tpu.memory_space<vmem_shared>> -> memref<512xf32, #tpu.memory_space<vmem_shared>>
    %dma_wait3A_207 = tpu.memref_slice %arg14[%add3A_47] : memref<131072xf32, #tpu.memory_space<vmem_shared>> -> memref<512xf32, #tpu.memory_space<vmem_shared>>
    %dma_wait3A_208 = arith.constant 0 : i32
    %dma_wait3A_209 = tpu.memref_slice %arg10[%dma_wait3A_208] : memref<8192xf32, #tpu.memory_space<vmem>> -> memref<512xf32, #tpu.memory_space<vmem>>
    tpu.wait_dma2 semaphore(%arg19 : memref<!tpu.dma_semaphore, #tpu.memory_space<semaphore_mem>>) src(%dma_wait3A_209 : memref<512xf32, #tpu.memory_space<vmem>>) dst(%dma_wait3A_207 : memref<512xf32, #tpu.memory_space<vmem_shared>>)
    %dma_wait3A_210 = arith.constant 512 : i32
    %dma_wait3A_211 = tpu.memref_slice %arg10[%dma_wait3A_210] : memref<8192xf32, #tpu.memory_space<vmem>> -> memref<512xf32, #tpu.memory_space<vmem>>
    %dma_wait3A_212 = tpu.memref_slice %arg14[%add3A_57] : memref<131072xf32, #tpu.memory_space<vmem_shared>> -> memref<512xf32, #tpu.memory_space<vmem_shared>>
    %dma_wait3A_213 = tpu.memref_slice %arg14[%add3A_57] : memref<131072xf32, #tpu.memory_space<vmem_shared>> -> memref<512xf32, #tpu.memory_space<vmem_shared>>
    %dma_wait3A_214 = arith.constant 512 : i32
    %dma_wait3A_215 = tpu.memref_slice %arg10[%dma_wait3A_214] : memref<8192xf32, #tpu.memory_space<vmem>> -> memref<512xf32, #tpu.memory_space<vmem>>
    tpu.wait_dma2 semaphore(%arg19 : memref<!tpu.dma_semaphore, #tpu.memory_space<semaphore_mem>>) src(%dma_wait3A_215 : memref<512xf32, #tpu.memory_space<vmem>>) dst(%dma_wait3A_213 : memref<512xf32, #tpu.memory_space<vmem_shared>>)
    %dma_wait3A_216 = arith.constant 1024 : i32
    %dma_wait3A_217 = tpu.memref_slice %arg10[%dma_wait3A_216] : memref<8192xf32, #tpu.memory_space<vmem>> -> memref<512xf32, #tpu.memory_space<vmem>>
    %dma_wait3A_218 = tpu.memref_slice %arg14[%add3A_67] : memref<131072xf32, #tpu.memory_space<vmem_shared>> -> memref<512xf32, #tpu.memory_space<vmem_shared>>
    %dma_wait3A_219 = tpu.memref_slice %arg14[%add3A_67] : memref<131072xf32, #tpu.memory_space<vmem_shared>> -> memref<512xf32, #tpu.memory_space<vmem_shared>>
    %dma_wait3A_220 = arith.constant 1024 : i32
    %dma_wait3A_221 = tpu.memref_slice %arg10[%dma_wait3A_220] : memref<8192xf32, #tpu.memory_space<vmem>> -> memref<512xf32, #tpu.memory_space<vmem>>
    tpu.wait_dma2 semaphore(%arg19 : memref<!tpu.dma_semaphore, #tpu.memory_space<semaphore_mem>>) src(%dma_wait3A_221 : memref<512xf32, #tpu.memory_space<vmem>>) dst(%dma_wait3A_219 : memref<512xf32, #tpu.memory_space<vmem_shared>>)
    %dma_wait3A_222 = arith.constant 1536 : i32
    %dma_wait3A_223 = tpu.memref_slice %arg10[%dma_wait3A_222] : memref<8192xf32, #tpu.memory_space<vmem>> -> memref<512xf32, #tpu.memory_space<vmem>>
    %dma_wait3A_224 = tpu.memref_slice %arg14[%add3A_77] : memref<131072xf32, #tpu.memory_space<vmem_shared>> -> memref<512xf32, #tpu.memory_space<vmem_shared>>
    %dma_wait3A_225 = tpu.memref_slice %arg14[%add3A_77] : memref<131072xf32, #tpu.memory_space<vmem_shared>> -> memref<512xf32, #tpu.memory_space<vmem_shared>>
    %dma_wait3A_226 = arith.constant 1536 : i32
    %dma_wait3A_227 = tpu.memref_slice %arg10[%dma_wait3A_226] : memref<8192xf32, #tpu.memory_space<vmem>> -> memref<512xf32, #tpu.memory_space<vmem>>
    tpu.wait_dma2 semaphore(%arg19 : memref<!tpu.dma_semaphore, #tpu.memory_space<semaphore_mem>>) src(%dma_wait3A_227 : memref<512xf32, #tpu.memory_space<vmem>>) dst(%dma_wait3A_225 : memref<512xf32, #tpu.memory_space<vmem_shared>>)
    %dma_wait3A_228 = arith.constant 2048 : i32
    %dma_wait3A_229 = tpu.memref_slice %arg10[%dma_wait3A_228] : memref<8192xf32, #tpu.memory_space<vmem>> -> memref<512xf32, #tpu.memory_space<vmem>>
    %dma_wait3A_230 = tpu.memref_slice %arg14[%add3A_87] : memref<131072xf32, #tpu.memory_space<vmem_shared>> -> memref<512xf32, #tpu.memory_space<vmem_shared>>
    %dma_wait3A_231 = tpu.memref_slice %arg14[%add3A_87] : memref<131072xf32, #tpu.memory_space<vmem_shared>> -> memref<512xf32, #tpu.memory_space<vmem_shared>>
    %dma_wait3A_232 = arith.constant 2048 : i32
    %dma_wait3A_233 = tpu.memref_slice %arg10[%dma_wait3A_232] : memref<8192xf32, #tpu.memory_space<vmem>> -> memref<512xf32, #tpu.memory_space<vmem>>
    tpu.wait_dma2 semaphore(%arg19 : memref<!tpu.dma_semaphore, #tpu.memory_space<semaphore_mem>>) src(%dma_wait3A_233 : memref<512xf32, #tpu.memory_space<vmem>>) dst(%dma_wait3A_231 : memref<512xf32, #tpu.memory_space<vmem_shared>>)
    %dma_wait3A_234 = arith.constant 2560 : i32
    %dma_wait3A_235 = tpu.memref_slice %arg10[%dma_wait3A_234] : memref<8192xf32, #tpu.memory_space<vmem>> -> memref<512xf32, #tpu.memory_space<vmem>>
    %dma_wait3A_236 = tpu.memref_slice %arg14[%add3A_97] : memref<131072xf32, #tpu.memory_space<vmem_shared>> -> memref<512xf32, #tpu.memory_space<vmem_shared>>
    %dma_wait3A_237 = tpu.memref_slice %arg14[%add3A_97] : memref<131072xf32, #tpu.memory_space<vmem_shared>> -> memref<512xf32, #tpu.memory_space<vmem_shared>>
    %dma_wait3A_238 = arith.constant 2560 : i32
    %dma_wait3A_239 = tpu.memref_slice %arg10[%dma_wait3A_238] : memref<8192xf32, #tpu.memory_space<vmem>> -> memref<512xf32, #tpu.memory_space<vmem>>
    tpu.wait_dma2 semaphore(%arg19 : memref<!tpu.dma_semaphore, #tpu.memory_space<semaphore_mem>>) src(%dma_wait3A_239 : memref<512xf32, #tpu.memory_space<vmem>>) dst(%dma_wait3A_237 : memref<512xf32, #tpu.memory_space<vmem_shared>>)
    %dma_wait3A_240 = arith.constant 3072 : i32
    %dma_wait3A_241 = tpu.memref_slice %arg10[%dma_wait3A_240] : memref<8192xf32, #tpu.memory_space<vmem>> -> memref<512xf32, #tpu.memory_space<vmem>>
    %dma_wait3A_242 = tpu.memref_slice %arg14[%add3A_107] : memref<131072xf32, #tpu.memory_space<vmem_shared>> -> memref<512xf32, #tpu.memory_space<vmem_shared>>
    %dma_wait3A_243 = tpu.memref_slice %arg14[%add3A_107] : memref<131072xf32, #tpu.memory_space<vmem_shared>> -> memref<512xf32, #tpu.memory_space<vmem_shared>>
    %dma_wait3A_244 = arith.constant 3072 : i32
    %dma_wait3A_245 = tpu.memref_slice %arg10[%dma_wait3A_244] : memref<8192xf32, #tpu.memory_space<vmem>> -> memref<512xf32, #tpu.memory_space<vmem>>
    tpu.wait_dma2 semaphore(%arg19 : memref<!tpu.dma_semaphore, #tpu.memory_space<semaphore_mem>>) src(%dma_wait3A_245 : memref<512xf32, #tpu.memory_space<vmem>>) dst(%dma_wait3A_243 : memref<512xf32, #tpu.memory_space<vmem_shared>>)
    %dma_wait3A_246 = arith.constant 3584 : i32
    %dma_wait3A_247 = tpu.memref_slice %arg10[%dma_wait3A_246] : memref<8192xf32, #tpu.memory_space<vmem>> -> memref<512xf32, #tpu.memory_space<vmem>>
    %dma_wait3A_248 = tpu.memref_slice %arg14[%add3A_117] : memref<131072xf32, #tpu.memory_space<vmem_shared>> -> memref<512xf32, #tpu.memory_space<vmem_shared>>
    %dma_wait3A_249 = tpu.memref_slice %arg14[%add3A_117] : memref<131072xf32, #tpu.memory_space<vmem_shared>> -> memref<512xf32, #tpu.memory_space<vmem_shared>>
    %dma_wait3A_250 = arith.constant 3584 : i32
    %dma_wait3A_251 = tpu.memref_slice %arg10[%dma_wait3A_250] : memref<8192xf32, #tpu.memory_space<vmem>> -> memref<512xf32, #tpu.memory_space<vmem>>
    tpu.wait_dma2 semaphore(%arg19 : memref<!tpu.dma_semaphore, #tpu.memory_space<semaphore_mem>>) src(%dma_wait3A_251 : memref<512xf32, #tpu.memory_space<vmem>>) dst(%dma_wait3A_249 : memref<512xf32, #tpu.memory_space<vmem_shared>>)
    %dma_wait3A_252 = arith.constant 4096 : i32
    %dma_wait3A_253 = tpu.memref_slice %arg10[%dma_wait3A_252] : memref<8192xf32, #tpu.memory_space<vmem>> -> memref<512xf32, #tpu.memory_space<vmem>>
    %dma_wait3A_254 = tpu.memref_slice %arg14[%add3A_127] : memref<131072xf32, #tpu.memory_space<vmem_shared>> -> memref<512xf32, #tpu.memory_space<vmem_shared>>
    %dma_wait3A_255 = tpu.memref_slice %arg14[%add3A_127] : memref<131072xf32, #tpu.memory_space<vmem_shared>> -> memref<512xf32, #tpu.memory_space<vmem_shared>>
    %dma_wait3A_256 = arith.constant 4096 : i32
    %dma_wait3A_257 = tpu.memref_slice %arg10[%dma_wait3A_256] : memref<8192xf32, #tpu.memory_space<vmem>> -> memref<512xf32, #tpu.memory_space<vmem>>
    tpu.wait_dma2 semaphore(%arg19 : memref<!tpu.dma_semaphore, #tpu.memory_space<semaphore_mem>>) src(%dma_wait3A_257 : memref<512xf32, #tpu.memory_space<vmem>>) dst(%dma_wait3A_255 : memref<512xf32, #tpu.memory_space<vmem_shared>>)
    %dma_wait3A_258 = arith.constant 4608 : i32
    %dma_wait3A_259 = tpu.memref_slice %arg10[%dma_wait3A_258] : memref<8192xf32, #tpu.memory_space<vmem>> -> memref<512xf32, #tpu.memory_space<vmem>>
    %dma_wait3A_260 = tpu.memref_slice %arg14[%add3A_137] : memref<131072xf32, #tpu.memory_space<vmem_shared>> -> memref<512xf32, #tpu.memory_space<vmem_shared>>
    %dma_wait3A_261 = tpu.memref_slice %arg14[%add3A_137] : memref<131072xf32, #tpu.memory_space<vmem_shared>> -> memref<512xf32, #tpu.memory_space<vmem_shared>>
    %dma_wait3A_262 = arith.constant 4608 : i32
    %dma_wait3A_263 = tpu.memref_slice %arg10[%dma_wait3A_262] : memref<8192xf32, #tpu.memory_space<vmem>> -> memref<512xf32, #tpu.memory_space<vmem>>
    tpu.wait_dma2 semaphore(%arg19 : memref<!tpu.dma_semaphore, #tpu.memory_space<semaphore_mem>>) src(%dma_wait3A_263 : memref<512xf32, #tpu.memory_space<vmem>>) dst(%dma_wait3A_261 : memref<512xf32, #tpu.memory_space<vmem_shared>>)
    %dma_wait3A_264 = arith.constant 5120 : i32
    %dma_wait3A_265 = tpu.memref_slice %arg10[%dma_wait3A_264] : memref<8192xf32, #tpu.memory_space<vmem>> -> memref<512xf32, #tpu.memory_space<vmem>>
    %dma_wait3A_266 = tpu.memref_slice %arg14[%add3A_147] : memref<131072xf32, #tpu.memory_space<vmem_shared>> -> memref<512xf32, #tpu.memory_space<vmem_shared>>
    %dma_wait3A_267 = tpu.memref_slice %arg14[%add3A_147] : memref<131072xf32, #tpu.memory_space<vmem_shared>> -> memref<512xf32, #tpu.memory_space<vmem_shared>>
    %dma_wait3A_268 = arith.constant 5120 : i32
    %dma_wait3A_269 = tpu.memref_slice %arg10[%dma_wait3A_268] : memref<8192xf32, #tpu.memory_space<vmem>> -> memref<512xf32, #tpu.memory_space<vmem>>
    tpu.wait_dma2 semaphore(%arg19 : memref<!tpu.dma_semaphore, #tpu.memory_space<semaphore_mem>>) src(%dma_wait3A_269 : memref<512xf32, #tpu.memory_space<vmem>>) dst(%dma_wait3A_267 : memref<512xf32, #tpu.memory_space<vmem_shared>>)
    %dma_wait3A_270 = arith.constant 5632 : i32
    %dma_wait3A_271 = tpu.memref_slice %arg10[%dma_wait3A_270] : memref<8192xf32, #tpu.memory_space<vmem>> -> memref<512xf32, #tpu.memory_space<vmem>>
    %dma_wait3A_272 = tpu.memref_slice %arg14[%add3A_157] : memref<131072xf32, #tpu.memory_space<vmem_shared>> -> memref<512xf32, #tpu.memory_space<vmem_shared>>
    %dma_wait3A_273 = tpu.memref_slice %arg14[%add3A_157] : memref<131072xf32, #tpu.memory_space<vmem_shared>> -> memref<512xf32, #tpu.memory_space<vmem_shared>>
    %dma_wait3A_274 = arith.constant 5632 : i32
    %dma_wait3A_275 = tpu.memref_slice %arg10[%dma_wait3A_274] : memref<8192xf32, #tpu.memory_space<vmem>> -> memref<512xf32, #tpu.memory_space<vmem>>
    tpu.wait_dma2 semaphore(%arg19 : memref<!tpu.dma_semaphore, #tpu.memory_space<semaphore_mem>>) src(%dma_wait3A_275 : memref<512xf32, #tpu.memory_space<vmem>>) dst(%dma_wait3A_273 : memref<512xf32, #tpu.memory_space<vmem_shared>>)
    %dma_wait3A_276 = arith.constant 6144 : i32
    %dma_wait3A_277 = tpu.memref_slice %arg10[%dma_wait3A_276] : memref<8192xf32, #tpu.memory_space<vmem>> -> memref<512xf32, #tpu.memory_space<vmem>>
    %dma_wait3A_278 = tpu.memref_slice %arg14[%add3A_167] : memref<131072xf32, #tpu.memory_space<vmem_shared>> -> memref<512xf32, #tpu.memory_space<vmem_shared>>
    %dma_wait3A_279 = tpu.memref_slice %arg14[%add3A_167] : memref<131072xf32, #tpu.memory_space<vmem_shared>> -> memref<512xf32, #tpu.memory_space<vmem_shared>>
    %dma_wait3A_280 = arith.constant 6144 : i32
    %dma_wait3A_281 = tpu.memref_slice %arg10[%dma_wait3A_280] : memref<8192xf32, #tpu.memory_space<vmem>> -> memref<512xf32, #tpu.memory_space<vmem>>
    tpu.wait_dma2 semaphore(%arg19 : memref<!tpu.dma_semaphore, #tpu.memory_space<semaphore_mem>>) src(%dma_wait3A_281 : memref<512xf32, #tpu.memory_space<vmem>>) dst(%dma_wait3A_279 : memref<512xf32, #tpu.memory_space<vmem_shared>>)
    %dma_wait3A_282 = arith.constant 6656 : i32
    %dma_wait3A_283 = tpu.memref_slice %arg10[%dma_wait3A_282] : memref<8192xf32, #tpu.memory_space<vmem>> -> memref<512xf32, #tpu.memory_space<vmem>>
    %dma_wait3A_284 = tpu.memref_slice %arg14[%add3A_177] : memref<131072xf32, #tpu.memory_space<vmem_shared>> -> memref<512xf32, #tpu.memory_space<vmem_shared>>
    %dma_wait3A_285 = tpu.memref_slice %arg14[%add3A_177] : memref<131072xf32, #tpu.memory_space<vmem_shared>> -> memref<512xf32, #tpu.memory_space<vmem_shared>>
    %dma_wait3A_286 = arith.constant 6656 : i32
    %dma_wait3A_287 = tpu.memref_slice %arg10[%dma_wait3A_286] : memref<8192xf32, #tpu.memory_space<vmem>> -> memref<512xf32, #tpu.memory_space<vmem>>
    tpu.wait_dma2 semaphore(%arg19 : memref<!tpu.dma_semaphore, #tpu.memory_space<semaphore_mem>>) src(%dma_wait3A_287 : memref<512xf32, #tpu.memory_space<vmem>>) dst(%dma_wait3A_285 : memref<512xf32, #tpu.memory_space<vmem_shared>>)
    %dma_wait3A_288 = arith.constant 7168 : i32
    %dma_wait3A_289 = tpu.memref_slice %arg10[%dma_wait3A_288] : memref<8192xf32, #tpu.memory_space<vmem>> -> memref<512xf32, #tpu.memory_space<vmem>>
    %dma_wait3A_290 = tpu.memref_slice %arg14[%add3A_187] : memref<131072xf32, #tpu.memory_space<vmem_shared>> -> memref<512xf32, #tpu.memory_space<vmem_shared>>
    %dma_wait3A_291 = tpu.memref_slice %arg14[%add3A_187] : memref<131072xf32, #tpu.memory_space<vmem_shared>> -> memref<512xf32, #tpu.memory_space<vmem_shared>>
    %dma_wait3A_292 = arith.constant 7168 : i32
    %dma_wait3A_293 = tpu.memref_slice %arg10[%dma_wait3A_292] : memref<8192xf32, #tpu.memory_space<vmem>> -> memref<512xf32, #tpu.memory_space<vmem>>
    tpu.wait_dma2 semaphore(%arg19 : memref<!tpu.dma_semaphore, #tpu.memory_space<semaphore_mem>>) src(%dma_wait3A_293 : memref<512xf32, #tpu.memory_space<vmem>>) dst(%dma_wait3A_291 : memref<512xf32, #tpu.memory_space<vmem_shared>>)
    %dma_wait3A_294 = arith.constant 7680 : i32
    %dma_wait3A_295 = tpu.memref_slice %arg10[%dma_wait3A_294] : memref<8192xf32, #tpu.memory_space<vmem>> -> memref<512xf32, #tpu.memory_space<vmem>>
    %dma_wait3A_296 = tpu.memref_slice %arg14[%add3A_197] : memref<131072xf32, #tpu.memory_space<vmem_shared>> -> memref<512xf32, #tpu.memory_space<vmem_shared>>
    %dma_wait3A_297 = tpu.memref_slice %arg14[%add3A_197] : memref<131072xf32, #tpu.memory_space<vmem_shared>> -> memref<512xf32, #tpu.memory_space<vmem_shared>>
    %dma_wait3A_298 = arith.constant 7680 : i32
    %dma_wait3A_299 = tpu.memref_slice %arg10[%dma_wait3A_298] : memref<8192xf32, #tpu.memory_space<vmem>> -> memref<512xf32, #tpu.memory_space<vmem>>
    tpu.wait_dma2 semaphore(%arg19 : memref<!tpu.dma_semaphore, #tpu.memory_space<semaphore_mem>>) src(%dma_wait3A_299 : memref<512xf32, #tpu.memory_space<vmem>>) dst(%dma_wait3A_297 : memref<512xf32, #tpu.memory_space<vmem_shared>>)
    "tpu.trace_stop"() : () -> ()
    "tpu.trace_start"() <{level = 10 : i32, message = "barrier"}> : () -> ()
    %barrier3A = arith.constant 0 : index
    tpu.barrier barrier_id(%barrier3A)
    "tpu.trace_stop"() : () -> ()
    "tpu.trace_start"() <{level = 10 : i32, message = "reduce"}> : () -> ()
    %mul3A_300 = arith.constant 8192 : i32
    %mul3A_301 = arith.muli %arg1, %mul3A_300 : i32
    "tpu.region"() ({
      %run_scoped3A = tpu.sem_alloc : memref<!tpu.dma_semaphore, #tpu.memory_space<semaphore_mem>>
      %dma_start3A_309 = tpu.memref_slice %arg14[%mul3A_301] : memref<131072xf32, #tpu.memory_space<vmem_shared>> -> memref<8192xf32, #tpu.memory_space<vmem_shared>>
      %dma_start3A_310 = tpu.memref_slice %arg14[%mul3A_301] : memref<131072xf32, #tpu.memory_space<vmem_shared>> -> memref<8192xf32, #tpu.memory_space<vmem_shared>>
      tpu.enqueue_dma source(%dma_start3A_310 : memref<8192xf32, #tpu.memory_space<vmem_shared>>) target(%arg11 : memref<8192xf32, #tpu.memory_space<vmem>>) target_semaphore(%run_scoped3A : memref<!tpu.dma_semaphore, #tpu.memory_space<semaphore_mem>>)
      %dma_wait3A_311 = tpu.memref_slice %arg14[%mul3A_301] : memref<131072xf32, #tpu.memory_space<vmem_shared>> -> memref<8192xf32, #tpu.memory_space<vmem_shared>>
      %dma_wait3A_312 = tpu.memref_slice %arg14[%mul3A_301] : memref<131072xf32, #tpu.memory_space<vmem_shared>> -> memref<8192xf32, #tpu.memory_space<vmem_shared>>
      tpu.wait_dma2 semaphore(%run_scoped3A : memref<!tpu.dma_semaphore, #tpu.memory_space<semaphore_mem>>) src(%dma_wait3A_312 : memref<8192xf32, #tpu.memory_space<vmem_shared>>) dst(%arg11 : memref<8192xf32, #tpu.memory_space<vmem>>)
      tpu.yield
    }) : () -> ()
    %get3A = arith.constant 0 : index
    %get3A_302 = tpu.vector_load %arg13[%get3A] {strides = array<i32>} : memref<16xf32, #tpu.memory_space<vmem>>, vector<16xf32>,
    %parallel_loop3A_303 = arith.constant 0 : i32
    %parallel_loop3A_304 = arith.constant 32 : i32
    %parallel_loop3A_305 = arith.constant 1 : i32
    scf.for %parallel_loop3A_309 = %parallel_loop3A_303 to %parallel_loop3A_304 step %parallel_loop3A_305  : i32 {
      %parallel_loop3A_310 = arith.constant 16 : i32
      %parallel_loop3A_311 = arith.muli %parallel_loop3A_309, %parallel_loop3A_310 : i32
      %parallel_loop3A_312 = arith.constant 0 : i32
      %parallel_loop3A_313 = arith.addi %parallel_loop3A_312, %parallel_loop3A_311 : i32
      %parallel_loop3A_314 = arith.index_cast %parallel_loop3A_313 : i32 to index
      %parallel_loop3A_315 = tpu.vector_load %arg11[%parallel_loop3A_314] {strides = array<i32>} : memref<8192xf32, #tpu.memory_space<vmem>>, vector<16xf32>,
      %parallel_loop3A_316 = arith.addf %get3A_302, %parallel_loop3A_315 : vector<16xf32>
      %parallel_loop3A_317 = arith.constant 16 : i32
      %parallel_loop3A_318 = arith.muli %parallel_loop3A_309, %parallel_loop3A_317 : i32
      %parallel_loop3A_319 = arith.constant 512 : i32
      %parallel_loop3A_320 = arith.addi %parallel_loop3A_319, %parallel_loop3A_318 : i32
      %parallel_loop3A_321 = arith.index_cast %parallel_loop3A_320 : i32 to index
      %parallel_loop3A_322 = tpu.vector_load %arg11[%parallel_loop3A_321] {strides = array<i32>} : memref<8192xf32, #tpu.memory_space<vmem>>, vector<16xf32>,
      %parallel_loop3A_323 = arith.addf %parallel_loop3A_316, %parallel_loop3A_322 : vector<16xf32>
      %parallel_loop3A_324 = arith.constant 16 : i32
      %parallel_loop3A_325 = arith.muli %parallel_loop3A_309, %parallel_loop3A_324 : i32
      %parallel_loop3A_326 = arith.constant 1024 : i32
      %parallel_loop3A_327 = arith.addi %parallel_loop3A_326, %parallel_loop3A_325 : i32
      %parallel_loop3A_328 = arith.index_cast %parallel_loop3A_327 : i32 to index
      %parallel_loop3A_329 = tpu.vector_load %arg11[%parallel_loop3A_328] {strides = array<i32>} : memref<8192xf32, #tpu.memory_space<vmem>>, vector<16xf32>,
      %parallel_loop3A_330 = arith.addf %parallel_loop3A_323, %parallel_loop3A_329 : vector<16xf32>
      %parallel_loop3A_331 = arith.constant 16 : i32
      %parallel_loop3A_332 = arith.muli %parallel_loop3A_309, %parallel_loop3A_331 : i32
      %parallel_loop3A_333 = arith.constant 1536 : i32
      %parallel_loop3A_334 = arith.addi %parallel_loop3A_333, %parallel_loop3A_332 : i32
      %parallel_loop3A_335 = arith.index_cast %parallel_loop3A_334 : i32 to index
      %parallel_loop3A_336 = tpu.vector_load %arg11[%parallel_loop3A_335] {strides = array<i32>} : memref<8192xf32, #tpu.memory_space<vmem>>, vector<16xf32>,
      %parallel_loop3A_337 = arith.addf %parallel_loop3A_330, %parallel_loop3A_336 : vector<16xf32>
      %parallel_loop3A_338 = arith.constant 16 : i32
      %parallel_loop3A_339 = arith.muli %parallel_loop3A_309, %parallel_loop3A_338 : i32
      %parallel_loop3A_340 = arith.constant 2048 : i32
      %parallel_loop3A_341 = arith.addi %parallel_loop3A_340, %parallel_loop3A_339 : i32
      %parallel_loop3A_342 = arith.index_cast %parallel_loop3A_341 : i32 to index
      %parallel_loop3A_343 = tpu.vector_load %arg11[%parallel_loop3A_342] {strides = array<i32>} : memref<8192xf32, #tpu.memory_space<vmem>>, vector<16xf32>,
      %parallel_loop3A_344 = arith.addf %parallel_loop3A_337, %parallel_loop3A_343 : vector<16xf32>
      %parallel_loop3A_345 = arith.constant 16 : i32
      %parallel_loop3A_346 = arith.muli %parallel_loop3A_309, %parallel_loop3A_345 : i32
      %parallel_loop3A_347 = arith.constant 2560 : i32
      %parallel_loop3A_348 = arith.addi %parallel_loop3A_347, %parallel_loop3A_346 : i32
      %parallel_loop3A_349 = arith.index_cast %parallel_loop3A_348 : i32 to index
      %parallel_loop3A_350 = tpu.vector_load %arg11[%parallel_loop3A_349] {strides = array<i32>} : memref<8192xf32, #tpu.memory_space<vmem>>, vector<16xf32>,
      %parallel_loop3A_351 = arith.addf %parallel_loop3A_344, %parallel_loop3A_350 : vector<16xf32>
      %parallel_loop3A_352 = arith.constant 16 : i32
      %parallel_loop3A_353 = arith.muli %parallel_loop3A_309, %parallel_loop3A_352 : i32
      %parallel_loop3A_354 = arith.constant 3072 : i32
      %parallel_loop3A_355 = arith.addi %parallel_loop3A_354, %parallel_loop3A_353 : i32
      %parallel_loop3A_356 = arith.index_cast %parallel_loop3A_355 : i32 to index
      %parallel_loop3A_357 = tpu.vector_load %arg11[%parallel_loop3A_356] {strides = array<i32>} : memref<8192xf32, #tpu.memory_space<vmem>>, vector<16xf32>,
      %parallel_loop3A_358 = arith.addf %parallel_loop3A_351, %parallel_loop3A_357 : vector<16xf32>
      %parallel_loop3A_359 = arith.constant 16 : i32
      %parallel_loop3A_360 = arith.muli %parallel_loop3A_309, %parallel_loop3A_359 : i32
      %parallel_loop3A_361 = arith.constant 3584 : i32
      %parallel_loop3A_362 = arith.addi %parallel_loop3A_361, %parallel_loop3A_360 : i32
      %parallel_loop3A_363 = arith.index_cast %parallel_loop3A_362 : i32 to index
      %parallel_loop3A_364 = tpu.vector_load %arg11[%parallel_loop3A_363] {strides = array<i32>} : memref<8192xf32, #tpu.memory_space<vmem>>, vector<16xf32>,
      %parallel_loop3A_365 = arith.addf %parallel_loop3A_358, %parallel_loop3A_364 : vector<16xf32>
      %parallel_loop3A_366 = arith.constant 16 : i32
      %parallel_loop3A_367 = arith.muli %parallel_loop3A_309, %parallel_loop3A_366 : i32
      %parallel_loop3A_368 = arith.constant 4096 : i32
      %parallel_loop3A_369 = arith.addi %parallel_loop3A_368, %parallel_loop3A_367 : i32
      %parallel_loop3A_370 = arith.index_cast %parallel_loop3A_369 : i32 to index
      %parallel_loop3A_371 = tpu.vector_load %arg11[%parallel_loop3A_370] {strides = array<i32>} : memref<8192xf32, #tpu.memory_space<vmem>>, vector<16xf32>,
      %parallel_loop3A_372 = arith.addf %parallel_loop3A_365, %parallel_loop3A_371 : vector<16xf32>
      %parallel_loop3A_373 = arith.constant 16 : i32
      %parallel_loop3A_374 = arith.muli %parallel_loop3A_309, %parallel_loop3A_373 : i32
      %parallel_loop3A_375 = arith.constant 4608 : i32
      %parallel_loop3A_376 = arith.addi %parallel_loop3A_375, %parallel_loop3A_374 : i32
      %parallel_loop3A_377 = arith.index_cast %parallel_loop3A_376 : i32 to index
      %parallel_loop3A_378 = tpu.vector_load %arg11[%parallel_loop3A_377] {strides = array<i32>} : memref<8192xf32, #tpu.memory_space<vmem>>, vector<16xf32>,
      %parallel_loop3A_379 = arith.addf %parallel_loop3A_372, %parallel_loop3A_378 : vector<16xf32>
      %parallel_loop3A_380 = arith.constant 16 : i32
      %parallel_loop3A_381 = arith.muli %parallel_loop3A_309, %parallel_loop3A_380 : i32
      %parallel_loop3A_382 = arith.constant 5120 : i32
      %parallel_loop3A_383 = arith.addi %parallel_loop3A_382, %parallel_loop3A_381 : i32
      %parallel_loop3A_384 = arith.index_cast %parallel_loop3A_383 : i32 to index
      %parallel_loop3A_385 = tpu.vector_load %arg11[%parallel_loop3A_384] {strides = array<i32>} : memref<8192xf32, #tpu.memory_space<vmem>>, vector<16xf32>,
      %parallel_loop3A_386 = arith.addf %parallel_loop3A_379, %parallel_loop3A_385 : vector<16xf32>
      %parallel_loop3A_387 = arith.constant 16 : i32
      %parallel_loop3A_388 = arith.muli %parallel_loop3A_309, %parallel_loop3A_387 : i32
      %parallel_loop3A_389 = arith.constant 5632 : i32
      %parallel_loop3A_390 = arith.addi %parallel_loop3A_389, %parallel_loop3A_388 : i32
      %parallel_loop3A_391 = arith.index_cast %parallel_loop3A_390 : i32 to index
      %parallel_loop3A_392 = tpu.vector_load %arg11[%parallel_loop3A_391] {strides = array<i32>} : memref<8192xf32, #tpu.memory_space<vmem>>, vector<16xf32>,
      %parallel_loop3A_393 = arith.addf %parallel_loop3A_386, %parallel_loop3A_392 : vector<16xf32>
      %parallel_loop3A_394 = arith.constant 16 : i32
      %parallel_loop3A_395 = arith.muli %parallel_loop3A_309, %parallel_loop3A_394 : i32
      %parallel_loop3A_396 = arith.constant 6144 : i32
      %parallel_loop3A_397 = arith.addi %parallel_loop3A_396, %parallel_loop3A_395 : i32
      %parallel_loop3A_398 = arith.index_cast %parallel_loop3A_397 : i32 to index
      %parallel_loop3A_399 = tpu.vector_load %arg11[%parallel_loop3A_398] {strides = array<i32>} : memref<8192xf32, #tpu.memory_space<vmem>>, vector<16xf32>,
      %parallel_loop3A_400 = arith.addf %parallel_loop3A_393, %parallel_loop3A_399 : vector<16xf32>
      %parallel_loop3A_401 = arith.constant 16 : i32
      %parallel_loop3A_402 = arith.muli %parallel_loop3A_309, %parallel_loop3A_401 : i32
      %parallel_loop3A_403 = arith.constant 6656 : i32
      %parallel_loop3A_404 = arith.addi %parallel_loop3A_403, %parallel_loop3A_402 : i32
      %parallel_loop3A_405 = arith.index_cast %parallel_loop3A_404 : i32 to index
      %parallel_loop3A_406 = tpu.vector_load %arg11[%parallel_loop3A_405] {strides = array<i32>} : memref<8192xf32, #tpu.memory_space<vmem>>, vector<16xf32>,
      %parallel_loop3A_407 = arith.addf %parallel_loop3A_400, %parallel_loop3A_406 : vector<16xf32>
      %parallel_loop3A_408 = arith.constant 16 : i32
      %parallel_loop3A_409 = arith.muli %parallel_loop3A_309, %parallel_loop3A_408 : i32
      %parallel_loop3A_410 = arith.constant 7168 : i32
      %parallel_loop3A_411 = arith.addi %parallel_loop3A_410, %parallel_loop3A_409 : i32
      %parallel_loop3A_412 = arith.index_cast %parallel_loop3A_411 : i32 to index
      %parallel_loop3A_413 = tpu.vector_load %arg11[%parallel_loop3A_412] {strides = array<i32>} : memref<8192xf32, #tpu.memory_space<vmem>>, vector<16xf32>,
      %parallel_loop3A_414 = arith.addf %parallel_loop3A_407, %parallel_loop3A_413 : vector<16xf32>
      %parallel_loop3A_415 = arith.constant 16 : i32
      %parallel_loop3A_416 = arith.muli %parallel_loop3A_309, %parallel_loop3A_415 : i32
      %parallel_loop3A_417 = arith.constant 7680 : i32
      %parallel_loop3A_418 = arith.addi %parallel_loop3A_417, %parallel_loop3A_416 : i32
      %parallel_loop3A_419 = arith.index_cast %parallel_loop3A_418 : i32 to index
      %parallel_loop3A_420 = tpu.vector_load %arg11[%parallel_loop3A_419] {strides = array<i32>} : memref<8192xf32, #tpu.memory_space<vmem>>, vector<16xf32>,
      %parallel_loop3A_421 = arith.addf %parallel_loop3A_414, %parallel_loop3A_420 : vector<16xf32>
      %parallel_loop3A_422 = arith.constant 16 : i32
      %parallel_loop3A_423 = arith.muli %parallel_loop3A_309, %parallel_loop3A_422 : i32
      %parallel_loop3A_424 = arith.index_cast %parallel_loop3A_423 : i32 to index
      %parallel_loop3A_425 = tpu.vector_load %arg12[%parallel_loop3A_424] {strides = array<i32>} : memref<512xf32, #tpu.memory_space<vmem>>, vector<16xf32>,
      tpu.vector_store %arg12[%parallel_loop3A_424], %parallel_loop3A_421 {strides = array<i32>} : memref<512xf32, #tpu.memory_space<vmem>>, vector<16xf32>,
    } {sc.loop_unroll_factor = 2 : i64, sc.parallel_access}
    "tpu.trace_stop"() : () -> ()
    "tpu.trace_start"() <{level = 10 : i32, message = "out_dma"}> : () -> ()
    %mul3A_306 = arith.constant 512 : i32
    %mul3A_307 = arith.muli %arg1, %mul3A_306 : i32
    %add3A_308 = arith.addi %mul3A_0, %mul3A_307 : i32
    "tpu.region"() ({
      %run_scoped3A = tpu.sem_alloc : memref<!tpu.dma_semaphore, #tpu.memory_space<semaphore_mem>>
      %dma_start3A_309 = tpu.memref_slice %arg5[%add3A_308] : memref<16384xf32, #tpu.memory_space<hbm>> -> memref<512xf32, #tpu.memory_space<hbm>>
      %dma_start3A_310 = tpu.memref_slice %arg5[%add3A_308] : memref<16384xf32, #tpu.memory_space<hbm>> -> memref<512xf32, #tpu.memory_space<hbm>>
      tpu.enqueue_dma source(%arg12 : memref<512xf32, #tpu.memory_space<vmem>>) target(%dma_start3A_310 : memref<512xf32, #tpu.memory_space<hbm>>) target_semaphore(%run_scoped3A : memref<!tpu.dma_semaphore, #tpu.memory_space<semaphore_mem>>)
      %dma_wait3A_311 = tpu.memref_slice %arg5[%add3A_308] : memref<16384xf32, #tpu.memory_space<hbm>> -> memref<512xf32, #tpu.memory_space<hbm>>
      %dma_wait3A_312 = tpu.memref_slice %arg5[%add3A_308] : memref<16384xf32, #tpu.memory_space<hbm>> -> memref<512xf32, #tpu.memory_space<hbm>>
      tpu.wait_dma2 semaphore(%run_scoped3A : memref<!tpu.dma_semaphore, #tpu.memory_space<semaphore_mem>>) src(%arg12 : memref<512xf32, #tpu.memory_space<vmem>>) dst(%dma_wait3A_312 : memref<512xf32, #tpu.memory_space<hbm>>)
      tpu.yield
    }) : () -> ()
    "tpu.trace_stop"() : () -> ()
    return
  }
}

</mosaic_0001>

<sc_bundles>
// kernel: kernel.3.cloned.1.call-start
scs
__scs_entry_jumppad:
0x0: {  	(pc) =	sbr.rel $0x88, $3  }
0x1: {  	(tag) =	ssettag $0x0;
	lr =	simm.s32 $0x1  }
0x2: {  	[smem:$0x3F9E] =	sst lr;
	_ =	strace $0xD0000000  }
0x3: {  	_ = 	snop  }
0x4: {  	_ = 	snop  }
0x5: {  	_ = 	snop  }
0x6: {  	_ = 	snop  }
0x7: {  	_ = 	snop  }
__scs_overlays_trampoline_lowered:
0x8: {  	[smem:$0x3FAD] =	sst s0  }
0x9: {  	[smem:$0x3FAE] =	sst s1  }
0xa: {  	[smem:$0x3FAF] =	sst s2  }
0xb: {  	[smem:$0x3FB0] =	sst s3  }
0xc: {  	[smem:$0x3FB1] =	sst s4  }
0xd: {  	[smem:$0x3FB2] =	sst s5  }
0xe: {  	[smem:$0x3FB3] =	sst s6  }
0xf: {  	[smem:$0x3FB4] =	sst s7  }
0x10: {  	[smem:$0x3FB5] =	sst s8  }
0x11: {  	[smem:$0x3FB6] =	sst s9;
	s0 =	simm.s32 @!p0 $0x0  }
0x12: {  	s1 =	sld [smem:$0x3F9C];
	s0 =	simm.s32 @p0 $0x1  }
0x13: {  	[smem:$0x3FB7] =	sst s0;
	s0 =	simm.s32 @!p1 $0x0  }
0x14: {  	s2 =	sld [smem:$0x3F9B];
	s0 =	simm.s32 @p1 $0x1  }
0x15: {  	[smem:$0x3FB8] =	sst s0;
	s0 =	simm.s32 @!p2 $0x0  }
0x16: {  	s3 =	sld [smem:$0x3FDB];
	s0 =	simm.s32 @p2 $0x1  }
0x17: {  	s4 =	simm.s32 $0x1BF5;
	[smem:$0x3FBA] =	sst s0  }
0x18: {  	s0 =	sld [smem:$0x3F9D];
	_ =	swait.ge [sflag:s4], $0x0  }
0x19: {  	s7 =	sld [smem:$0x3F9E]  }
0x1a: {  	s8 =	sadd.s32 $0xFFFFE003, lr  }
0x1b: {  	s9 =	sadd.s32 $0xFFFFFEF7, lr;
	s5 =	simm.s32 $0xFFFFFFFF;
	p2 =	slt.u32 s8, $0xFFFFF086  }
0x1c: {  	p1 =	slt.u32 s9, $0xF7A;
	s5 =	simm.s32 @!p2 $0x0  }
0x1d: {  	s5 =	simm.s32 @p1 $0x1;
	p0 =	seq.s32 s7, s2  }
0x1e: {  	s7 =	smul.u32 @!p0 $0xF7A, s2;
	p2 =	seq.s32 @!p0 s5, $0x0  }
0x1f: {  	s9 =	smul.u32 $0xF7A, s1;
	s8 =	simm.s32 @!p0 $0x1BF5;
	p2 =	por !p2, p0  }
0x20: {  	[sflag:s8] =	ssyncset.s32 @!p0 $0xFFFFF086;
	s6 =	sadd.s32 @!p0 s3, s7;
	s7 =	simm.s32 @!p0 $0x108  }
0x21: {  	s3 =	sadd.s32 s3, s9;
	s6 =	sadd.s32 @!p0 $0x88, s6;
	s7 =	simm.s32 @p2 $0x1082  }
0x22: {  	[simem:s7], [sflag:s8] =	dma.local @!p0 [hbm:s6], $0xF7A  }
0x23: {  	s9 =	sor.u32 $0xD0000000, s2;
	s6 =	simm.s32 $0x108;
	_ =	swait.ge @!p0 [sflag:s8], $0x0  }
0x24: {  	s3 =	sadd.s32 $0x88, s3;
	s6 =	simm.s32 @!p1 $0x1082;
	[sflag:s4] =	ssyncset.s32 $0xFFFFF086  }
0x25: {  	[simem:s6], [sflag:s4] =	dma.local [hbm:s3], $0xF7A  }
0x26: {  	[smem:$0x3F9E] =	sst s1;
	(tag) =	ssettag s2;
	_ =	strace s9  }
0x27: {  	s1 =	sld [smem:$0x3FAE]  }
0x28: {  	s2 =	sld [smem:$0x3FAF]  }
0x29: {  	s4 =	sld [smem:$0x3FB1]  }
0x2a: {  	p0 =	seq.s32 s5, $0x0;
	s5 =	sld [smem:$0x3FB2]  }
0x2b: {  	s6 =	sld [smem:$0x3FB3]  }
0x2c: {  	s7 =	sld [smem:$0x3FB4]  }
0x2d: {  	s3 =	simm.s32 $0x108;
	s8 =	sld [smem:$0x3FB5]  }
0x2e: {  	s3 =	simm.s32 @!p0 $0x1082;
	s9 =	sld [smem:$0x3FB6]  }
0x2f: {  	lr =	sadd.s32 s0, s3;
	s0 =	sld [smem:$0x3FAD]  }
0x30: {  	s3 =	sld [smem:$0x3FB0]  }
0x31: {  	[smem:$0x3FB9] =	sst s10  }
0x32: {  	s10 =	sld [smem:$0x3FB7];
	_ =	sdelay $0x3  }
0x33: {  	p0 =	seq.s32 s10, $0x1;
	s10 =	sld [smem:$0x3FB9];
	_ =	sdelay $0x3  }
0x34: {  	[smem:$0x3FB9] =	sst s10  }
0x35: {  	s10 =	sld [smem:$0x3FB8];
	_ =	sdelay $0x3  }
0x36: {  	p1 =	seq.s32 s10, $0x1;
	s10 =	sld [smem:$0x3FB9];
	_ =	sdelay $0x3  }
0x37: {  	[smem:$0x3FB9] =	sst s10  }
0x38: {  	s10 =	sld [smem:$0x3FBA]  }
0x39: {  	_ = 	snop;
	(pc) =	sbr.ind lr, $3  }
0x3a: {  	_ = 	snop  }
0x3b: {  	_ = 	snop  }
0x3c: {  	p2 =	seq.s32 s10, $0x1;
	s10 =	sld [smem:$0x3FB9]  }
0x3d: {  	_ =	shalt  }
0x3e: {  	_ =	shalt  }
0x3f: {  	_ =	shalt  }
0x40: {  	_ =	shalt  }
0x41: {  	_ =	shalt  }
0x42: {  	_ =	shalt  }
0x43: {  	_ =	shalt  }
0x44: {  	_ =	shalt  }
0x45: {  	_ =	shalt  }
0x46: {  	_ =	shalt  }
0x47: {  	_ =	shalt  }
0x48: {  	_ =	shalt  }
0x49: {  	_ =	shalt  }
0x4a: {  	_ =	shalt  }
0x4b: {  	_ =	shalt  }
0x4c: {  	_ =	shalt  }
0x4d: {  	_ =	shalt  }
0x4e: {  	_ =	shalt  }
0x4f: {  	_ =	shalt  }
0x50: {  	_ =	shalt  }
0x51: {  	_ =	shalt  }
0x52: {  	_ =	shalt  }
0x53: {  	_ =	shalt  }
0x54: {  	_ =	shalt  }
0x55: {  	_ =	shalt  }
0x56: {  	_ =	shalt  }
0x57: {  	_ =	shalt  }
0x58: {  	_ =	shalt  }
0x59: {  	_ =	shalt  }
0x5a: {  	_ =	shalt  }
0x5b: {  	_ =	shalt  }
0x5c: {  	_ =	shalt  }
0x5d: {  	_ =	shalt  }
0x5e: {  	_ =	shalt  }
0x5f: {  	_ =	shalt  }
0x60: {  	_ =	shalt  }
0x61: {  	_ =	shalt  }
0x62: {  	_ =	shalt  }
0x63: {  	_ =	shalt  }
0x64: {  	_ =	shalt  }
0x65: {  	_ =	shalt  }
0x66: {  	_ =	shalt  }
0x67: {  	_ =	shalt  }
0x68: {  	_ =	shalt  }
0x69: {  	_ =	shalt  }
0x6a: {  	_ =	shalt  }
0x6b: {  	_ =	shalt  }
0x6c: {  	_ =	shalt  }
0x6d: {  	_ =	shalt  }
0x6e: {  	_ =	shalt  }
0x6f: {  	_ =	shalt  }
0x70: {  	_ =	shalt  }
0x71: {  	_ =	shalt  }
0x72: {  	_ =	shalt  }
0x73: {  	_ =	shalt  }
0x74: {  	_ =	shalt  }
0x75: {  	_ =	shalt  }
0x76: {  	_ =	shalt  }
0x77: {  	_ =	shalt  }
0x78: {  	_ =	shalt  }
0x79: {  	_ =	shalt  }
0x7a: {  	_ =	shalt  }
0x7b: {  	_ =	shalt  }
0x7c: {  	_ =	shalt  }
0x7d: {  	_ =	shalt  }
0x7e: {  	_ =	shalt  }
0x7f: {  	_ =	shalt  }
0x80: {  	_ =	shalt  }
0x81: {  	_ =	shalt  }
0x82: {  	_ =	shalt  }
0x83: {  	_ =	shalt  }
0x84: {  	_ =	shalt  }
0x85: {  	_ =	shalt  }
0x86: {  	_ =	shalt  }
0x87: {  	_ =	shalt  }
.Lfunc_end0:
.L_simem_size_0:
called_computation_lowered:
.L_overlay_start_0:
0x88: {  	s2 =	sld [smem:$0x3FD9]  }
0x89: {  	s3 =	sld [smem:$0x3FFE];
	_ =	sdelay $0x1  }
0x8a: {  	s1 =	srdreg.scid  }
0x8b: {  	s0 =	sand.u32 $0x1, s1  }
0x8c: {  	s17 =	sshll.u32 s0, $0xA;
	s2 =	sadd.s32 s3, s2  }
0x8d: {  	s2 =	sadd.s32 s2, s17  }
0x8e: {  	[smem:$0x3FC5] =	sst s2  }
0x8f: {  	_ = 	snop  }
0x90: {  	s2 =	sld [smem:$0x3FC9]  }
0x91: {  	s18 =	sld [smem:$0x3FD0];
	(tm) =	ssettm $0x1  }
0x92: {  	s4 =	sld [smem:$0x3FFB];
	_ =	sdelay $0x3  }
0x93: {  	_ =	strace s4  }
0x94: {  	s4 =	sld [smem:$0x3FFC];
	_ =	sdelay $0x3  }
0x95: {  	_ =	strace s4  }
0x96: {  	s4 =	sld [smem:$0x3FFD];
	_ =	sdelay $0x3  }
0x97: {  	_ =	strace s4  }
0x98: {  	_ =	strace $0x8FFFFFFF  }
0x99: {  	s19 =	sld [smem:$0x3FDB];
	_ =	sdelay $0x1  }
0x9a: {  	s5 =	simm.s32 $_scs_section_size  }
0x9b: {  	s6 =	simm.s32 $_size__tile_overlayer_lowered;
	s7 =	simm.s32 $_tile_overlayer_lowered  }
0x9c: {  	s22 =	simm.s32 $0x1BFF;
	s21 =	sshll.u32 s7, $0x1;
	s4 =	sadd.s32 s5, s19  }
0x9d: {  	s8 =	simm.s32 $0x0;
	s20 =	sshll.u32 s6, $0x1;
	s6 =	sadd.s32 s21, s4  }
0x9e: {  	[timem:s8], [sflag:s22] =	dma.local [hbm:s6], s20  }
0x9f: {  	_ =	swait.ge [sflag:s22], s20  }
0xa0: {  	s5 =	ssub.s32 $0x0, s20;
	[sflag:s22] =	ssyncset.done $0x0  }
0xa1: {  	[sflag:s22] =	ssyncadd.s32 s5;
	_ =	sdelay $0x1  }
0xa2: {  	s23 =	simm.s32 $0x1B8B  }
0xa3: {  	_ =	swait.ge [sflag:s23], $0x1  }
0xa4: {  	[sflag:s23] =	ssyncset.done $0x0  }
0xa5: {  	s25 =	simm.s32 $0x1B8E;
	s24 =	sld [smem:$0x3FFE];
	[sflag:s23] =	ssyncadd.s32 $0xFFFFFFFF  }
0xa6: {  	s26 =	simm.s32 $execute0_lowered;
	[smem:$0x3FD2] =	sst s25  }
0xa7: {  	s6 =	sshll.u32 s26, $0x1;
	_ =	strace $0x80000046;
	[dreg:$0x1] =	wrdreg $0xFFFFFFFF  }
0xa8: {  	s28 =	simm.s32 $_size_execute0_lowered;
	s4 =	sadd.s32 s4, s6;
	[dreg:$0x0] =	wrdreg $0x0  }
0xa9: {  	s6 =	sshll.u32 s28, $0x1;
	[dreg:$0x2] =	wrdreg s4  }
0xaa: {  	[dreg:$0x3] =	wrdreg s6  }
0xab: {  	[dreg:$0x4] =	wrdreg $0xC0  }
0xac: {  	_ =	task [dreg:s8], $0x5FFFF  }
0xad: {  	[dreg:$0x1] =	wrdreg $0xFFFFFFFF  }
0xae: {  	[dreg:$0x0] =	wrdreg $0x60  }
0xaf: {  	[dreg:$0x2] =	wrdreg s2  }
0xb0: {  	[dreg:$0x3] =	wrdreg s24  }
0xb1: {  	[dreg:$0x4] =	wrdreg s18  }
0xb2: {  	[dreg:$0x5] =	wrdreg $0x1C2800  }
0xb3: {  	[dreg:$0x6] =	wrdreg $0x9  }
0xb4: {  	_ =	task.clear_ibuf [dreg:s8], $0x7FFFF;
	_ =	strace $0x90000046  }
0xb5: {  	s29 =	simm.s32 $0x9;
	_ =	strace $0x80000050  }
0xb6: {  	_ =	swait.ge [sflag:s29], $0x1  }
0xb7: {  	[sflag:s29] =	ssyncadd.s32 $0xFFFFFFFF  }
0xb8: {  	_ =	strace $0x90000050  }
0xb9: {  	_ =	sfence  }
0xba: {  	s30 =	sld [smem:$0x0];
	_ =	sdelay $0x2  }
0xbb: {  	s31 =	sshll.u32 s1, $0xD;
	s1 =	sshrl.u32 s1, $0x2  }
0xbc: {  	s3 =	sand.u32 $0x4000, s31;
	s1 =	sadd.s32 s1, s30  }
0xbd: {  	s0 =	sor.u32 s3, s0;
	s1 =	sshll.u32 s1, $0x11  }
0xbe: {  	s0 =	sor.u32 s1, s0  }
0xbf: {  	s0 =	sadd.s32 $0x8F2B, s0  }
0xc0: {  	[sflag:s0] =	ssyncadd.remote.s32 $0x1  }
0xc1: {  	_ =	sfence.sel $0xFFFF  }
0xc2: {  	[dreg:$0x0] =	wrdreg $0xFFFFFFFF;
	(pc) =	sbr.abs _section_cstart, $3  }
0xc3: {  	[dreg:$0x1] =	wrdreg $0xFFFFFFFF  }
0xc4: {  	_ =	task.clear_ibuf [dreg:s8], $0x2FFFF;
	_ =	strace $0x9FFFFFFF  }
0xc5: {  	(tm) =	ssettm $0x7FFFFFFF  }
tec
execute0_lowered:
.L_overlay_start_1:
0x0: {  	(tag) =	ssettag $0x1  }
0x1: {  	s2 =	rddreg [dreg:$0x0]  }
0x2: {  	s3 =	rddreg [dreg:$0x1]  }
0x3: {  	s0 =	rddreg [dreg:$0x2]  }
0x4: {  	s4 =	rddreg [dreg:$0x3];
	s1 =	simm.s32 $0x0  }
0x5: {  	s5 =	srdreg.scid;
	s24 =	stileid.u32;
	s28 =	simm.s32 $0x3  }
0x6: {  	s31 =	simm.s32 $0xA000;
	s29 =	simm.s32 $0x5;
	s30 =	simm.s32 $0x0  }
0x7: {  	[smem:$0x7FF] =	sst s1;
	s5 =	sand.u32 $0x1, s5;
	s7 =	sadd.s32 $0x400, s3  }
0x8: {  	s3 =	sadd.s32 $0x20000, s3;
	s8 =	smin.u32 s24, $0x9;
	s9 =	sshll.u32 s24, $0xE  }
0x9: {  	s10 =	sshll.u32 s24, $0x7;
	s11 =	smul.u32 $0x9C40, s24;
	s26 =	sshll.u32 s24, $0xD  }
0xa: {  	p0 =	sgt.u32 s24, $0x9;
	_ =	strace $0x80000047;
	s6 =	ssub.s32 $0x2, s5  }
0xb: {  	[dreg:$0x5] =	wrdreg s3;
	s14 =	sor.u32 $0x10, s8;
	s15 =	sor.u32 s9, s10  }
0xc: {  	s16 =	sshll.u32 s5, $0x10;
	s5 =	sshll.u32 s5, $0xD;
	s8 =	sshll.u32 s8, $0x7  }
0xd: {  	s13 =	sshrl.u32 s6, $0x1;
	s3 =	sand.u32 $0x20380, s15;
	s17 =	sshrl.u32 s11, $0x7  }
0xe: {  	s12 =	smul.u32 $0x9C40, s14;
	s23 =	ssub.s32 s6, s13;
	s3 =	sor.u32 s16, s3  }
0xf: {  	s10 =	sand.u32 $0x1FF8, s17;
	s6 =	sshll.u32 s14, $0xE;
	s3 =	sshrl.u32 s3, $0x3  }
0x10: {  	s13 =	sshll.u32 s10, $0x7;
	s18 =	sshrl.u32 s12, $0x7;
	s10 =	sshll.u32 s10, $0x4  }
0x11: {  	s6 =	sor.u32 s6, s8;
	s23 =	smax.u32 s23, $0x1;
	s3 =	sadd.s32 s2, s3  }
0x12: {  	s19 =	sadd.s32 s7, s10;
	s6 =	sand.u32 $0x60380, s6;
	[dreg:$0x6] =	wrdreg s3  }
0x13: {  	s3 =	ssub.s32 s11, s13;
	s11 =	sand.u32 $0x3FF8, s18;
	[dreg:$0x7] =	wrdreg s19  }
0x14: {  	s6 =	sor.u32 s16, s6;
	s18 =	sshll.u32 s24, $0x9;
	s19 =	sadd.s32 s26, s4  }
0x15: {  	s11 =	smin.u32 s11, $0x1E80;
	s9 =	sshrl.u32 s6, $0x3;
	s6 =	sadd.s32 s18, s4  }
0x16: {  	s25 =	sor.u32 s18, s5;
	s20 =	sshll.u32 s11, $0x7;
	s21 =	sshll.u32 s11, $0x4  }
0x17: {  	s2 =	sadd.s32 s2, s9;
	s9 =	sadd.s32 $0x2000, s6;
	s10 =	sadd.s32 $0x4000, s6  }
0x18: {  	s11 =	sadd.s32 $0x6000, s6;
	s13 =	sadd.s32 $0xA000, s6;
	s14 =	sadd.s32 $0xC000, s6  }
0x19: {  	s15 =	sadd.s32 $0xE000, s6;
	s16 =	sadd.s32 $0x10000, s6;
	s17 =	sadd.s32 $0x12000, s6  }
0x1a: {  	s18 =	sadd.s32 $0x14000, s6;
	s24 =	sadd.s32 $0x1A000, s6;
	s26 =	sadd.s32 $0x1E000, s6  }
0x1b: {  	s8 =	ssub.s32 s12, s20;
	[dreg:$0x8] =	wrdreg s2;
	s22 =	sadd.s32 s7, s21  }
0x1c: {  	s12 =	sadd.s32 $0x8000, s6;
	s2 =	sshrl.u32 s25, $0x3;
	s20 =	sadd.s32 $0x16000, s6  }
0x1d: {  	s25 =	sadd.s32 $0x1C000, s6;
	[dreg:$0x9] =	wrdreg s22;
	s21 =	sadd.s32 s0, s2  }
0x1e: {  	v0 =	vmov s3;
	s22 =	sadd.s32 $0x18000, s6;
	s0 =	simm.s32 $0x6;
	s2 =	simm.s32 $0x1;
	v1 =	vmov s8  }
.LBB2_1:
0x1f: {  	_ =	strace $0x80000048;
	s4 =	simm.s32 $0x80  }
0x20: {  	s5 =	simm.s32 $0x400;
	s7 =	simm.s32 $0x14000;
	s3 =	rddreg [dreg:$0x6]  }
0x21: {  	[tilespmem:s7], [sflag:$0x1] =	stream.strided.gather [hbm4b:s3+s4], $0x2000, s5, s4, $0x200038;
	[tilespmem:$0x1E280] =	vst v63  }
0x22: {  	s4 =	rddreg [dreg:$0x7]  }
0x23: {  	[tilespmem:s1], [sflag:$0x3] =	stream.linear.gather [hbm4b:s4+s1], $0xA000, $0x200038;
	[tilespmem:$0x1E280] =	vst v63  }
0x24: {  	s5 =	rddreg [dreg:$0x5];
	s7 =	simm.s32 $0x1C200  }
0x25: {  	[tilespmem:s7], [sflag:$0x6] =	stream.linear.gather [hbm4b:s5+s1], $0x80, $0x200038;
	[tilespmem:$0x1E280] =	vst v63  }
0x26: {  	_ =	swait.ge [sflag:s0], $0x80  }
0x27: {  	[sflag:s0] =	ssyncset.done $0x0  }
0x28: {  	[sflag:s0] =	ssyncadd.s32 $0xFFFFFF80  }
0x29: {  	_ =	swait.ge [sflag:s2], $0x2000  }
0x2a: {  	[sflag:s2] =	ssyncset.done $0x0  }
0x2b: {  	[sflag:s2] =	ssyncadd.s32 $0xFFFFE000  }
0x2c: {  	_ =	swait.ge [sflag:s28], $0xA000  }
0x2d: {  	s3 =	simm.s32 @!p0 $0x80;
	s4 =	simm.s32 @!p0 $0x400;
	[sflag:s28] =	ssyncset.done $0x0  }
0x2e: {  	s5 =	simm.s32 @!p0 $0x16000;
	s7 =	rddreg [dreg:$0x8];
	[sflag:s28] =	ssyncadd.s32 $0xFFFF6000  }
0x2f: {  	[tilespmem:s5], [sflag:$0x2] =	stream.strided.gather @!p0 [hbm4b:s7+s3], $0x2000, s4, s3, $0x200038;
	[tilespmem:$0x1E280] =	vst v63  }
0x30: {  	s3 =	simm.s32 @!p0 $0x0;
	s4 =	simm.s32 @!p0 $0xA000;
	s5 =	rddreg [dreg:$0x9]  }
0x31: {  	[tilespmem:s4], [sflag:$0x4] =	stream.linear.gather @!p0 [hbm4b:s5+s3], $0xA000, $0x200038;
	[tilespmem:$0x1E280] =	vst v63  }
0x32: {  	_ =	strace $0x90000048  }
0x33: {  	s8 =	simm.s32 $0x14040;
	_ =	strace $0x80000049  }
0x34: {  	v2 =	vld [tilespmem:s8+$0x30]  }
0x35: {  	v3 =	vld [tilespmem:s8+$0xFFFFFFD0]  }
0x36: {  	v4 =	vld [tilespmem:s8+$0xFFFFFFE0]  }
0x37: {  	v5 =	vld [tilespmem:s8+$0xFFFFFFF0]  }
0x38: {  	v6 =	vld [tilespmem:s8+$0x0]  }
0x39: {  	v7 =	vld [tilespmem:s8+$0x10];
	v2 =	vadd.s32 v0, v2  }
0x3a: {  	v3 =	vadd.s32 v0, v3  }
0x3b: {  	v4 =	vadd.s32 v0, v4  }
0x3c: {  	v8 =	vld [tilespmem:s8+$0x20];
	v5 =	vadd.s32 v0, v5  }
0x3d: {  	v10 =	vld [tilespmem:s8+$0xFFFFFFC0];
	v11 =	vadd.s32 v0, v6  }
0x3e: {  	v12 =	vadd.s32 v0, v7;
	v9 =	vld.idx.msk [tilespmem:v2+s1+$0x0], $0xffff  }
0x3f: {  	v6 =	vld.idx.msk [tilespmem:v3+s1+$0x0], $0xffff  }
0x40: {  	v7 =	vld.idx.msk [tilespmem:v4+s1+$0x0], $0xffff  }
0x41: {  	v5 =	vld.idx.msk [tilespmem:v5+s1+$0x0], $0xffff  }
0x42: {  	v4 =	vld.idx.msk [tilespmem:v11+s1+$0x0], $0xffff  }
0x43: {  	s3 =	simm.s32 $0x18040;
	s4 =	simm.s32 $0x0;
	s5 =	simm.s32 $0x140C0;
	v2 =	vadd.s32 v0, v8;
	v3 =	vadd.s32 v0, v10;
	v8 =	vld.idx.msk [tilespmem:v12+s1+$0x0], $0xffff  }
.LBB2_2:
0x44: {  	v10 =	vld [tilespmem:s5+$0x30];
	s4 =	sadd.s32 $0x8, s4;
	[tilespmem:s3+$0x30] =	vst v9  }
0x45: {  	v9 =	vld [tilespmem:s5+$0xFFFFFFD0];
	p1 =	slt.u32 s4, $0x1F8;
	[tilespmem:s3+$0xFFFFFFD0] =	vst v6  }
0x46: {  	v6 =	vld [tilespmem:s5+$0xFFFFFFE0];
	[tilespmem:s3+$0xFFFFFFE0] =	vst v7  }
0x47: {  	v7 =	vld [tilespmem:s5+$0xFFFFFFF0];
	[tilespmem:s3+$0xFFFFFFF0] =	vst v5  }
0x48: {  	v5 =	vld [tilespmem:s5+$0x0];
	[tilespmem:s3+$0x0] =	vst v4  }
0x49: {  	v4 =	vld [tilespmem:s5+$0x10];
	v10 =	vadd.s32 v0, v10;
	[tilespmem:s3+$0x10] =	vst v8  }
0x4a: {  	v8 =	vadd.s32 v0, v9;
	v11 =	vld [tilespmem:s5+$0x20]  }
0x4b: {  	v12 =	vld [tilespmem:s5+$0xFFFFFFC0];
	v13 =	vadd.s32 v0, v6  }
0x4c: {  	v14 =	vadd.s32 v0, v7;
	v15 =	vld.idx.msk [tilespmem:v3+s1+$0x0], $0xffff  }
0x4d: {  	v16 =	vadd.s32 v0, v5;
	v17 =	vld.idx.msk [tilespmem:v2+s1+$0x0], $0xffff  }
0x4e: {  	v18 =	vadd.s32 v0, v4;
	v9 =	vld.idx.msk [tilespmem:v10+s1+$0x0], $0xffff  }
.Ltmp0:
0x4f: {  	v6 =	vld.idx.msk [tilespmem:v8+s1+$0x0], $0xffff;
	v2 =	vadd.s32 v0, v11;
	(pc) =	sbr.rel @p1 .LBB2_2-.Ltmp0, $4  }
0x50: {  	v3 =	vadd.s32 v0, v12;
	v7 =	vld.idx.msk [tilespmem:v13+s1+$0x0], $0xffff  }
0x51: {  	v5 =	vld.idx.msk [tilespmem:v14+s1+$0x0], $0xffff  }
0x52: {  	v4 =	vld.idx.msk [tilespmem:v16+s1+$0x0], $0xffff;
	[tilespmem:s3+$0xFFFFFFC0] =	vst v15  }
0x53: {  	s5 =	sadd.s32 $0x80, s5;
	v8 =	vld.idx.msk [tilespmem:v18+s1+$0x0], $0xffff;
	[tilespmem:s3+$0x20] =	vst v17;
	s3 =	sadd.s32 $0x80, s3  }
0x54: {  	_ =	sdelay $0x2  }
0x55: {  	[tilespmem:s3+$0x30] =	vst v9  }
0x56: {  	[tilespmem:s3+$0xFFFFFFD0] =	vst v6;
	v3 =	vld.idx.msk [tilespmem:v3+s1+$0x0], $0xffff  }
0x57: {  	v2 =	vld.idx.msk [tilespmem:v2+s1+$0x0], $0xffff;
	[tilespmem:s3+$0xFFFFFFE0] =	vst v7  }
0x58: {  	[tilespmem:s3+$0xFFFFFFF0] =	vst v5  }
.Ltmp1:
0x59: {  	[tilespmem:s3+$0x0] =	vst v4;
	(pc) =	sbr.rel @p0 .LBB2_7-.Ltmp1, $4  }
0x5a: {  	[tilespmem:s3+$0x10] =	vst v8  }
0x5b: {  	[tilespmem:s3+$0xFFFFFFC0] =	vst v3  }
0x5c: {  	[tilespmem:s3+$0x20] =	vst v2  }
0x5d: {  	_ =	strace $0x90000049  }
0x5e: {  	_ =	strace $0x8000004A;
	s3 =	simm.s32 $0x2  }
0x5f: {  	_ =	swait.ge [sflag:s3], $0x2000  }
0x60: {  	[sflag:s3] =	ssyncset.done $0x0  }
0x61: {  	s8 =	simm.s32 $0x4;
	[sflag:s3] =	ssyncadd.s32 $0xFFFFE000  }
0x62: {  	_ =	swait.ge [sflag:s8], $0xA000  }
0x63: {  	[sflag:s8] =	ssyncset.done $0x0  }
0x64: {  	[sflag:s8] =	ssyncadd.s32 $0xFFFF6000  }
0x65: {  	_ =	strace $0x9000004A  }
0x66: {  	s3 =	simm.s32 $0x0;
	_ =	strace $0x8000004B  }
0x67: {  	v2 =	vld [tilespmem:s3+$0x16070]  }
0x68: {  	v3 =	vld [tilespmem:s3+$0x16000]  }
0x69: {  	v4 =	vld [tilespmem:s3+$0x16010]  }
0x6a: {  	v5 =	vld [tilespmem:s3+$0x16020]  }
0x6b: {  	v6 =	vld [tilespmem:s3+$0x16030]  }
0x6c: {  	v7 =	vld [tilespmem:s3+$0x16040];
	v2 =	vadd.s32 v1, v2  }
0x6d: {  	v3 =	vadd.s32 v1, v3  }
0x6e: {  	v8 =	vld [tilespmem:s3+$0x16050];
	v4 =	vadd.s32 v1, v4  }
0x6f: {  	v9 =	vld [tilespmem:s3+$0x16060];
	v5 =	vadd.s32 v1, v5  }
0x70: {  	v6 =	vadd.s32 v1, v6  }
0x71: {  	v7 =	vadd.s32 v1, v7;
	v2 =	vld.idx.msk [tilespmem:v2+s31+$0x0], $0xffff  }
0x72: {  	v10 =	vld.idx.msk [tilespmem:v3+s31+$0x0], $0xffff  }
0x73: {  	v3 =	vadd.s32 v1, v8;
	v63 =	vld.idx.msk [tilespmem:v4+s31+$0x0], $0xffff  }
0x74: {  	v9 =	vadd.s32 v1, v9;
	v5 =	vld.idx.msk [tilespmem:v5+s31+$0x0], $0xffff  }
0x75: {  	v6 =	vld.idx.msk [tilespmem:v6+s31+$0x0], $0xffff  }
0x76: {  	v4 =	vld.idx.msk [tilespmem:v7+s31+$0x0], $0xffff  }
0x77: {  	[tilespmem:s3+$0x18070] =	vst.add.f32.msk $0xffff, v2  }
0x78: {  	v3 =	vld.idx.msk [tilespmem:v3+s31+$0x0], $0xffff  }
0x79: {  	v2 =	vld.idx.msk [tilespmem:v9+s31+$0x0], $0xffff  }
0x7a: {  	[tilespmem:s3+$0x18000] =	vst.add.f32.msk $0xffff, v10  }
0x7b: {  	[tilespmem:s3+$0x18010] =	vst.add.f32.msk $0xffff, v63  }
0x7c: {  	[tilespmem:s3+$0x18020] =	vst.add.f32.msk $0xffff, v5  }
0x7d: {  	s4 =	simm.s32 $0x0;
	s5 =	simm.s32 $0x200;
	[tilespmem:s3+$0x18030] =	vst.add.f32.msk $0xffff, v6  }
.LBB2_5:
0x7e: {  	s7 =	sshra.s32 s5, $0x2;
	s4 =	sadd.s32 $0x8, s4;
	[tilespmem:s3+$0x18040] =	vst.add.f32.msk $0xffff, v4  }
0x7f: {  	v4 =	vld [tilespmem:s7+$0x16070];
	p1 =	slt.u32 s4, $0x1F8  }
0x80: {  	v5 =	vld [tilespmem:s7+$0x16000]  }
0x81: {  	v6 =	vld [tilespmem:s7+$0x16010]  }
0x82: {  	v7 =	vld [tilespmem:s7+$0x16020]  }
0x83: {  	v8 =	vld [tilespmem:s7+$0x16030]  }
0x84: {  	v9 =	vld [tilespmem:s7+$0x16040];
	v4 =	vadd.s32 v1, v4  }
0x85: {  	v5 =	vadd.s32 v1, v5;
	v10 =	vld [tilespmem:s7+$0x16050]  }
0x86: {  	v6 =	vadd.s32 v1, v6;
	v11 =	vld [tilespmem:s7+$0x16060]  }
0x87: {  	v7 =	vadd.s32 v1, v7;
	[tilespmem:s3+$0x18050] =	vst.add.f32.msk $0xffff, v3  }
0x88: {  	v3 =	vadd.s32 v1, v8;
	[tilespmem:s3+$0x18060] =	vst.add.f32.msk $0xffff, v2;
	s3 =	smov.u32 s7  }
0x89: {  	v2 =	vadd.s32 v1, v9;
	v8 =	vld.idx.msk [tilespmem:v4+s31+$0x0], $0xffff  }
0x8a: {  	v5 =	vld.idx.msk [tilespmem:v5+s31+$0x0], $0xffff;
	v9 =	vadd.s32 v1, v10  }
0x8b: {  	v6 =	vld.idx.msk [tilespmem:v6+s31+$0x0], $0xffff;
	v10 =	vadd.s32 v1, v11  }
0x8c: {  	v7 =	vld.idx.msk [tilespmem:v7+s31+$0x0], $0xffff  }
0x8d: {  	v11 =	vld.idx.msk [tilespmem:v3+s31+$0x0], $0xffff  }
0x8e: {  	v4 =	vld.idx.msk [tilespmem:v2+s31+$0x0], $0xffff  }
0x8f: {  	[tilespmem:s3+$0x18070] =	vst.add.f32.msk $0xffff, v8  }
0x90: {  	v3 =	vld.idx.msk [tilespmem:v9+s31+$0x0], $0xffff  }
.Ltmp2:
0x91: {  	v2 =	vld.idx.msk [tilespmem:v10+s31+$0x0], $0xffff;
	(pc) =	sbr.rel @p1 .LBB2_5-.Ltmp2, $4  }
0x92: {  	[tilespmem:s3+$0x18000] =	vst.add.f32.msk $0xffff, v5  }
0x93: {  	[tilespmem:s3+$0x18010] =	vst.add.f32.msk $0xffff, v6  }
0x94: {  	[tilespmem:s3+$0x18020] =	vst.add.f32.msk $0xffff, v7  }
0x95: {  	s5 =	sadd.s32 $0x200, s5;
	[tilespmem:s3+$0x18030] =	vst.add.f32.msk $0xffff, v11  }
0x96: {  	[tilespmem:s3+$0x18040] =	vst.add.f32.msk $0xffff, v4  }
0x97: {  	[tilespmem:s3+$0x18050] =	vst.add.f32.msk $0xffff, v3  }
0x98: {  	[tilespmem:s3+$0x18060] =	vst.add.f32.msk $0xffff, v2  }
0x99: {  	_ =	strace $0x9000004B  }
.LBB2_7:
0x9a: {  	_ =	strace $0x8000004C;
	s3 =	simm.s32 $0x18000  }
0x9b: {  	[spmem:s6] =	stream.linear.scatter [tilespmem:s3], [sflag:$0x5], $0x200, $0x200038;
	[tilespmem:$0x1E280] =	vst v63  }
0x9c: {  	s8 =	simm.s32 $0x18200  }
0x9d: {  	[spmem:s9] =	stream.linear.scatter [tilespmem:s8], [sflag:$0x5], $0x200, $0x200038;
	[tilespmem:$0x1E280] =	vst v63  }
0x9e: {  	s4 =	simm.s32 $0x18400  }
0x9f: {  	[spmem:s10] =	stream.linear.scatter [tilespmem:s4], [sflag:$0x5], $0x200, $0x200038;
	[tilespmem:$0x1E280] =	vst v63  }
0xa0: {  	s5 =	simm.s32 $0x18600  }
0xa1: {  	[spmem:s11] =	stream.linear.scatter [tilespmem:s5], [sflag:$0x5], $0x200, $0x200038;
	[tilespmem:$0x1E280] =	vst v63  }
0xa2: {  	s7 =	simm.s32 $0x18800  }
0xa3: {  	[spmem:s12] =	stream.linear.scatter [tilespmem:s7], [sflag:$0x5], $0x200, $0x200038;
	[tilespmem:$0x1E280] =	vst v63  }
0xa4: {  	s8 =	simm.s32 $0x18A00  }
0xa5: {  	[spmem:s13] =	stream.linear.scatter [tilespmem:s8], [sflag:$0x5], $0x200, $0x200038;
	[tilespmem:$0x1E280] =	vst v63  }
0xa6: {  	s4 =	simm.s32 $0x18C00  }
0xa7: {  	[spmem:s14] =	stream.linear.scatter [tilespmem:s4], [sflag:$0x5], $0x200, $0x200038;
	[tilespmem:$0x1E280] =	vst v63  }
0xa8: {  	s5 =	simm.s32 $0x18E00  }
0xa9: {  	[spmem:s15] =	stream.linear.scatter [tilespmem:s5], [sflag:$0x5], $0x200, $0x200038;
	[tilespmem:$0x1E280] =	vst v63  }
0xaa: {  	s7 =	simm.s32 $0x19000  }
0xab: {  	[spmem:s16] =	stream.linear.scatter [tilespmem:s7], [sflag:$0x5], $0x200, $0x200038;
	[tilespmem:$0x1E280] =	vst v63  }
0xac: {  	s8 =	simm.s32 $0x19200  }
0xad: {  	[spmem:s17] =	stream.linear.scatter [tilespmem:s8], [sflag:$0x5], $0x200, $0x200038;
	[tilespmem:$0x1E280] =	vst v63  }
0xae: {  	s4 =	simm.s32 $0x19400  }
0xaf: {  	[spmem:s18] =	stream.linear.scatter [tilespmem:s4], [sflag:$0x5], $0x200, $0x200038;
	[tilespmem:$0x1E280] =	vst v63  }
0xb0: {  	s5 =	simm.s32 $0x19600  }
0xb1: {  	[spmem:s20] =	stream.linear.scatter [tilespmem:s5], [sflag:$0x5], $0x200, $0x200038;
	[tilespmem:$0x1E280] =	vst v63  }
0xb2: {  	s7 =	simm.s32 $0x19800  }
0xb3: {  	[spmem:s22] =	stream.linear.scatter [tilespmem:s7], [sflag:$0x5], $0x200, $0x200038;
	[tilespmem:$0x1E280] =	vst v63  }
0xb4: {  	s8 =	simm.s32 $0x19A00  }
0xb5: {  	[spmem:s24] =	stream.linear.scatter [tilespmem:s8], [sflag:$0x5], $0x200, $0x200038;
	[tilespmem:$0x1E280] =	vst v63  }
0xb6: {  	s4 =	simm.s32 $0x19C00  }
0xb7: {  	[spmem:s25] =	stream.linear.scatter [tilespmem:s4], [sflag:$0x5], $0x200, $0x200038;
	[tilespmem:$0x1E280] =	vst v63  }
0xb8: {  	s5 =	simm.s32 $0x19E00  }
0xb9: {  	[spmem:s26] =	stream.linear.scatter [tilespmem:s5], [sflag:$0x5], $0x200, $0x200038;
	[tilespmem:$0x1E280] =	vst v63  }
0xba: {  	_ =	swait.ge [sflag:s29], $0x200  }
0xbb: {  	[sflag:s29] =	ssyncset.done $0x0  }
0xbc: {  	[sflag:s29] =	ssyncadd.s32 $0xFFFFFE00  }
0xbd: {  	_ =	swait.ge [sflag:s29], $0x200  }
0xbe: {  	[sflag:s29] =	ssyncset.done $0x0  }
0xbf: {  	[sflag:s29] =	ssyncadd.s32 $0xFFFFFE00  }
0xc0: {  	_ =	swait.ge [sflag:s29], $0x200  }
0xc1: {  	[sflag:s29] =	ssyncset.done $0x0  }
0xc2: {  	[sflag:s29] =	ssyncadd.s32 $0xFFFFFE00  }
0xc3: {  	_ =	swait.ge [sflag:s29], $0x200  }
0xc4: {  	[sflag:s29] =	ssyncset.done $0x0  }
0xc5: {  	[sflag:s29] =	ssyncadd.s32 $0xFFFFFE00  }
0xc6: {  	_ =	swait.ge [sflag:s29], $0x200  }
0xc7: {  	[sflag:s29] =	ssyncset.done $0x0  }
0xc8: {  	[sflag:s29] =	ssyncadd.s32 $0xFFFFFE00  }
0xc9: {  	_ =	swait.ge [sflag:s29], $0x200  }
0xca: {  	[sflag:s29] =	ssyncset.done $0x0  }
0xcb: {  	[sflag:s29] =	ssyncadd.s32 $0xFFFFFE00  }
0xcc: {  	_ =	swait.ge [sflag:s29], $0x200  }
0xcd: {  	[sflag:s29] =	ssyncset.done $0x0  }
0xce: {  	[sflag:s29] =	ssyncadd.s32 $0xFFFFFE00  }
0xcf: {  	_ =	swait.ge [sflag:s29], $0x200  }
0xd0: {  	[sflag:s29] =	ssyncset.done $0x0  }
0xd1: {  	[sflag:s29] =	ssyncadd.s32 $0xFFFFFE00  }
0xd2: {  	_ =	swait.ge [sflag:s29], $0x200  }
0xd3: {  	[sflag:s29] =	ssyncset.done $0x0  }
0xd4: {  	[sflag:s29] =	ssyncadd.s32 $0xFFFFFE00  }
0xd5: {  	_ =	swait.ge [sflag:s29], $0x200  }
0xd6: {  	[sflag:s29] =	ssyncset.done $0x0  }
0xd7: {  	[sflag:s29] =	ssyncadd.s32 $0xFFFFFE00  }
0xd8: {  	_ =	swait.ge [sflag:s29], $0x200  }
0xd9: {  	[sflag:s29] =	ssyncset.done $0x0  }
0xda: {  	[sflag:s29] =	ssyncadd.s32 $0xFFFFFE00  }
0xdb: {  	_ =	swait.ge [sflag:s29], $0x200  }
0xdc: {  	[sflag:s29] =	ssyncset.done $0x0  }
0xdd: {  	[sflag:s29] =	ssyncadd.s32 $0xFFFFFE00  }
0xde: {  	_ =	swait.ge [sflag:s29], $0x200  }
0xdf: {  	[sflag:s29] =	ssyncset.done $0x0  }
0xe0: {  	[sflag:s29] =	ssyncadd.s32 $0xFFFFFE00  }
0xe1: {  	_ =	swait.ge [sflag:s29], $0x200  }
0xe2: {  	[sflag:s29] =	ssyncset.done $0x0  }
0xe3: {  	[sflag:s29] =	ssyncadd.s32 $0xFFFFFE00  }
0xe4: {  	_ =	swait.ge [sflag:s29], $0x200  }
0xe5: {  	[sflag:s29] =	ssyncset.done $0x0  }
0xe6: {  	[sflag:s29] =	ssyncadd.s32 $0xFFFFFE00  }
0xe7: {  	_ =	swait.ge [sflag:s29], $0x200  }
0xe8: {  	[sflag:s29] =	ssyncset.done $0x0  }
0xe9: {  	[sflag:s29] =	ssyncadd.s32 $0xFFFFFE00  }
0xea: {  	_ =	strace $0x9000004C  }
0xeb: {  	_ =	strace $0x8000004D  }
0xec: {  	[bflag:$0x0] =	sbarrier.arrive $0xFFFF  }
0xed: {  	_ =	strace $0x9000004D  }
0xee: {  	s7 =	simm.s32 $0x1A000;
	_ =	strace $0x8000004E  }
0xef: {  	[tilespmem:s7], [sflag:$0x6] =	stream.linear.gather [spmem:s19], $0x2000, $0x200038;
	[tilespmem:$0x1E280] =	vst v63  }
0xf0: {  	_ =	swait.ge [sflag:s0], $0x2000  }
0xf1: {  	[sflag:s0] =	ssyncset.done $0x0  }
0xf2: {  	[sflag:s0] =	ssyncadd.s32 $0xFFFFE000  }
0xf3: {  	s8 =	simm.s32 $0x1B010;
	v2 =	vld [tilespmem:$0x1C200]  }
0xf4: {  	v3 =	vld [tilespmem:s8+$0xFFFFF000]  }
0xf5: {  	s4 =	simm.s32 $0x0;
	v4 =	vld [tilespmem:s8+$0xFFFFEFF0]  }
0xf6: {  	s4 =	sand.u32 $0x1E0, s4;
	v5 =	vld [tilespmem:s8+$0xFFFFF200]  }
0xf7: {  	v6 =	vld [tilespmem:s4+$0x1A200]  }
0xf8: {  	v7 =	vld [tilespmem:s8+$0xFFFFF400]  }
0xf9: {  	v8 =	vld [tilespmem:s4+$0x1A400]  }
0xfa: {  	v9 =	vld [tilespmem:s8+$0xFFFFF600]  }
0xfb: {  	v10 =	vld [tilespmem:s4+$0x1A600]  }
0xfc: {  	v11 =	vld [tilespmem:s8+$0xFFFFF800]  }
0xfd: {  	v12 =	vld [tilespmem:s4+$0x1A800]  }
0xfe: {  	v13 =	vld [tilespmem:s8+$0xFFFFFA00]  }
0xff: {  	v14 =	vld [tilespmem:s4+$0x1AA00]  }
0x100: {  	v15 =	vld [tilespmem:s8+$0xFFFFFC00]  }
0x101: {  	v16 =	vld [tilespmem:s4+$0x1AC00]  }
0x102: {  	v17 =	vld [tilespmem:s8+$0xFFFFFE00]  }
0x103: {  	v18 =	vld [tilespmem:s4+$0x1AE00]  }
0x104: {  	v19 =	vld [tilespmem:s8+$0x0]  }
0x105: {  	v20 =	vld [tilespmem:s4+$0x1B000]  }
0x106: {  	v21 =	vld [tilespmem:s8+$0x200]  }
0x107: {  	v22 =	vld [tilespmem:s4+$0x1B200]  }
0x108: {  	v23 =	vld [tilespmem:s8+$0x400]  }
0x109: {  	v24 =	vld [tilespmem:s4+$0x1B400]  }
0x10a: {  	v25 =	vld [tilespmem:s8+$0x600]  }
0x10b: {  	v26 =	vld [tilespmem:s4+$0x1B600]  }
0x10c: {  	v27 =	vld [tilespmem:s8+$0x800]  }
0x10d: {  	v28 =	vld [tilespmem:s4+$0x1B800]  }
0x10e: {  	v29 =	vld [tilespmem:s8+$0xA00]  }
0x10f: {  	v30 =	vld [tilespmem:s4+$0x1BA00]  }
0x110: {  	v31 =	vld [tilespmem:s8+$0xC00]  }
0x111: {  	v32 =	vld [tilespmem:s4+$0x1BC00];
	v3 =	vadd.f32 v3, v2  }
0x112: {  	v33 =	vld [tilespmem:s8+$0xE00];
	v4 =	vadd.f32 v4, v2  }
0x113: {  	s5 =	simm.s32 $0x1B030;
	v34 =	vld [tilespmem:s4+$0x1BE00];
	v3 =	vadd.f32 v5, v3  }
0x114: {  	v4 =	vadd.f32 v6, v4;
	v5 =	vld [tilespmem:s5+$0xFFFFF000]  }
0x115: {  	s3 =	simm.s32 $0x20;
	v6 =	vld [tilespmem:s5+$0xFFFFEFF0];
	v3 =	vadd.f32 v7, v3  }
0x116: {  	s7 =	sand.u32 $0x1E0, s3;
	v4 =	vadd.f32 v8, v4;
	v7 =	vld [tilespmem:s5+$0xFFFFF200]  }
0x117: {  	v8 =	vld [tilespmem:s7+$0x1A200];
	v3 =	vadd.f32 v9, v3  }
0x118: {  	v4 =	vadd.f32 v10, v4;
	v9 =	vld [tilespmem:s5+$0xFFFFF400]  }
0x119: {  	v10 =	vld [tilespmem:s7+$0x1A400];
	v5 =	vadd.f32 v5, v2;
	v3 =	vadd.f32 v11, v3  }
0x11a: {  	v6 =	vadd.f32 v6, v2;
	v4 =	vadd.f32 v12, v4;
	v11 =	vld [tilespmem:s5+$0xFFFFF600]  }
0x11b: {  	v5 =	vadd.f32 v7, v5;
	v7 =	vld [tilespmem:s7+$0x1A600];
	v3 =	vadd.f32 v13, v3  }
0x11c: {  	v59 =	vld [tilespmem:s5+$0xFFFFF800];
	v6 =	vadd.f32 v8, v6;
	v4 =	vadd.f32 v14, v4  }
0x11d: {  	v8 =	vld [tilespmem:s7+$0x1A800];
	v5 =	vadd.f32 v9, v5;
	v3 =	vadd.f32 v15, v3  }
0x11e: {  	v9 =	vld [tilespmem:s5+$0xFFFFFA00];
	v6 =	vadd.f32 v10, v6;
	v4 =	vadd.f32 v16, v4  }
0x11f: {  	v10 =	vld [tilespmem:s7+$0x1AA00];
	v5 =	vadd.f32 v11, v5;
	v3 =	vadd.f32 v17, v3  }
0x120: {  	v11 =	vld [tilespmem:s5+$0xFFFFFC00];
	v4 =	vadd.f32 v18, v4;
	v6 =	vadd.f32 v7, v6  }
0x121: {  	v7 =	vld [tilespmem:s7+$0x1AC00];
	v5 =	vadd.f32 v59, v5;
	v3 =	vadd.f32 v19, v3  }
0x122: {  	v60 =	vld [tilespmem:s5+$0xFFFFFE00];
	v4 =	vadd.f32 v20, v4;
	v6 =	vadd.f32 v8, v6  }
0x123: {  	v8 =	vld [tilespmem:s7+$0x1AE00];
	v5 =	vadd.f32 v9, v5;
	v3 =	vadd.f32 v21, v3  }
0x124: {  	v9 =	vld [tilespmem:s5+$0x0];
	v4 =	vadd.f32 v22, v4;
	v6 =	vadd.f32 v10, v6  }
0x125: {  	v10 =	vld [tilespmem:s7+$0x1B000];
	v5 =	vadd.f32 v11, v5;
	v3 =	vadd.f32 v23, v3  }
0x126: {  	v11 =	vld [tilespmem:s5+$0x200];
	v4 =	vadd.f32 v24, v4;
	v6 =	vadd.f32 v7, v6  }
0x127: {  	v7 =	vld [tilespmem:s7+$0x1B200];
	v5 =	vadd.f32 v60, v5;
	v3 =	vadd.f32 v25, v3  }
0x128: {  	v61 =	vld [tilespmem:s5+$0x400];
	v4 =	vadd.f32 v26, v4;
	v6 =	vadd.f32 v8, v6  }
0x129: {  	v8 =	vld [tilespmem:s7+$0x1B400];
	v5 =	vadd.f32 v9, v5;
	v3 =	vadd.f32 v27, v3  }
0x12a: {  	v9 =	vld [tilespmem:s5+$0x600];
	v4 =	vadd.f32 v28, v4;
	v6 =	vadd.f32 v10, v6  }
0x12b: {  	v10 =	vld [tilespmem:s7+$0x1B600];
	v5 =	vadd.f32 v11, v5;
	v3 =	vadd.f32 v29, v3  }
0x12c: {  	v11 =	vld [tilespmem:s5+$0x800];
	v4 =	vadd.f32 v30, v4;
	v6 =	vadd.f32 v7, v6  }
0x12d: {  	v7 =	vld [tilespmem:s7+$0x1B800];
	v5 =	vadd.f32 v61, v5;
	v62 =	vadd.f32 v31, v3  }
0x12e: {  	v63 =	vld [tilespmem:s5+$0xA00];
	v4 =	vadd.f32 v32, v4;
	v6 =	vadd.f32 v8, v6  }
0x12f: {  	v3 =	vld [tilespmem:s7+$0x1BA00];
	v5 =	vadd.f32 v9, v5;
	v8 =	vadd.f32 v33, v62  }
0x130: {  	v9 =	vadd.f32 v34, v4;
	v4 =	vld [tilespmem:s5+$0xC00];
	v10 =	vadd.f32 v10, v6  }
0x131: {  	s4 =	simm.s32 $0x1C010;
	v11 =	vadd.f32 v11, v5;
	v5 =	vld [tilespmem:s7+$0x1BC00]  }
0x132: {  	v6 =	vld [tilespmem:s5+$0xE00];
	[tilespmem:s4+$0x0] =	vst v8;
	v8 =	vadd.f32 v7, v10  }
0x133: {  	s5 =	simm.s32 $0x2;
	[tilespmem:s4+$0xFFFFFFF0] =	vst v9;
	v7 =	vld [tilespmem:s7+$0x1BE00];
	s7 =	simm.s32 $0x1B050;
	v9 =	vadd.f32 v63, v11  }
.LBB2_8:
0x134: {  	v10 =	vld [tilespmem:s7+$0xFFFFF000];
	s5 =	sadd.s32 $0x2, s5;
	v3 =	vadd.f32 v3, v8  }
0x135: {  	s3 =	sadd.s32 $0x20, s3;
	v8 =	vld [tilespmem:s7+$0xFFFFEFF0];
	p1 =	slt.u32 s5, $0x1E;
	v4 =	vadd.f32 v4, v9  }
0x136: {  	s8 =	sand.u32 $0x1E0, s3;
	v9 =	vld [tilespmem:s7+$0xFFFFF200];
	v3 =	vadd.f32 v5, v3  }
0x137: {  	v5 =	vld [tilespmem:s8+$0x1A200];
	v4 =	vadd.f32 v6, v4  }
0x138: {  	s4 =	sadd.s32 $0x20, s4;
	v6 =	vld [tilespmem:s7+$0xFFFFF400];
	v3 =	vadd.f32 v7, v3  }
0x139: {  	v7 =	vld [tilespmem:s8+$0x1A400];
	v10 =	vadd.f32 v10, v2;
	[tilespmem:s4+$0x0] =	vst v4  }
0x13a: {  	v4 =	vadd.f32 v8, v2;
	v8 =	vld [tilespmem:s7+$0xFFFFF600];
	[tilespmem:s4+$0xFFFFFFF0] =	vst v3  }
0x13b: {  	v3 =	vld [tilespmem:s8+$0x1A600];
	v9 =	vadd.f32 v9, v10  }
0x13c: {  	v4 =	vadd.f32 v5, v4;
	v5 =	vld [tilespmem:s7+$0xFFFFF800]  }
0x13d: {  	v10 =	vld [tilespmem:s8+$0x1A800];
	v6 =	vadd.f32 v6, v9  }
0x13e: {  	v4 =	vadd.f32 v7, v4;
	v7 =	vld [tilespmem:s7+$0xFFFFFA00]  }
0x13f: {  	v9 =	vld [tilespmem:s8+$0x1AA00];
	v6 =	vadd.f32 v8, v6  }
0x140: {  	v3 =	vadd.f32 v3, v4;
	v4 =	vld [tilespmem:s7+$0xFFFFFC00]  }
0x141: {  	v8 =	vld [tilespmem:s8+$0x1AC00];
	v5 =	vadd.f32 v5, v6  }
0x142: {  	v3 =	vadd.f32 v10, v3;
	v6 =	vld [tilespmem:s7+$0xFFFFFE00]  }
0x143: {  	v10 =	vld [tilespmem:s8+$0x1AE00];
	v5 =	vadd.f32 v7, v5  }
0x144: {  	v3 =	vadd.f32 v9, v3;
	v7 =	vld [tilespmem:s7+$0x0]  }
0x145: {  	v9 =	vld [tilespmem:s8+$0x1B000];
	v4 =	vadd.f32 v4, v5  }
0x146: {  	v3 =	vadd.f32 v8, v3;
	v5 =	vld [tilespmem:s7+$0x200]  }
0x147: {  	v8 =	vld [tilespmem:s8+$0x1B200];
	v4 =	vadd.f32 v6, v4  }
0x148: {  	v3 =	vadd.f32 v10, v3;
	v6 =	vld [tilespmem:s7+$0x400]  }
0x149: {  	v10 =	vld [tilespmem:s8+$0x1B400];
	v4 =	vadd.f32 v7, v4  }
0x14a: {  	v3 =	vadd.f32 v9, v3;
	v7 =	vld [tilespmem:s7+$0x600]  }
0x14b: {  	v9 =	vld [tilespmem:s8+$0x1B600];
	v4 =	vadd.f32 v5, v4  }
0x14c: {  	v3 =	vadd.f32 v8, v3;
	v8 =	vld [tilespmem:s7+$0x800]  }
0x14d: {  	v11 =	vld [tilespmem:s8+$0x1B800];
	v4 =	vadd.f32 v6, v4  }
0x14e: {  	v5 =	vadd.f32 v10, v3;
	v10 =	vld [tilespmem:s7+$0xA00]  }
.Ltmp3:
0x14f: {  	v3 =	vld [tilespmem:s8+$0x1BA00];
	v6 =	vadd.f32 v7, v4;
	(pc) =	sbr.rel @p1 .LBB2_8-.Ltmp3, $4  }
0x150: {  	v7 =	vadd.f32 v9, v5;
	v4 =	vld [tilespmem:s7+$0xC00]  }
0x151: {  	v5 =	vld [tilespmem:s8+$0x1BC00];
	v9 =	vadd.f32 v8, v6  }
0x152: {  	v8 =	vadd.f32 v11, v7;
	v6 =	vld [tilespmem:s7+$0xE00]  }
0x153: {  	s7 =	sadd.s32 $0x20, s7;
	v7 =	vld [tilespmem:s8+$0x1BE00];
	v9 =	vadd.f32 v10, v9  }
0x154: {  	v2 =	vadd.f32 v3, v8  }
0x155: {  	v3 =	vadd.f32 v4, v9  }
0x156: {  	v2 =	vadd.f32 v5, v2  }
0x157: {  	v3 =	vadd.f32 v6, v3  }
0x158: {  	s3 =	sadd.s32 $0x20, s4;
	v2 =	vadd.f32 v7, v2  }
0x159: {  	[tilespmem:s3+$0x0] =	vst v3  }
0x15a: {  	[tilespmem:s3+$0xFFFFFFF0] =	vst v2  }
0x15b: {  	s30 =	sadd.s32 $0x1, s30;
	_ =	strace $0x9000004E  }
0x15c: {  	s8 =	simm.s32 $0x1C000;
	p1 =	sne.s32 s30, s23;
	_ =	strace $0x8000004F  }
0x15d: {  	[hbm4b:s21+s1] =	stream.linear.scatter [tilespmem:s8], [sflag:$0x6], $0x200, $0x200038;
	[tilespmem:$0x1E280] =	vst v63  }
.Ltmp4:
0x15e: {  	_ = 	snop;
	(pc) =	sbr.rel @p1 .LBB2_1-.Ltmp4, $4  }
0x15f: {  	_ =	swait.ge [sflag:s0], $0x200  }
0x160: {  	[sflag:s0] =	ssyncset.done $0x0  }
0x161: {  	[sflag:s0] =	ssyncadd.s32 $0xFFFFFE00  }
0x162: {  	_ =	strace $0x9000004F  }
0x163: {  	_ =	sfence.sel $0x180000  }
0x164: {  	[bflag:$0x0] =	sbarrier.arrive $0xFFFF  }
0x165: {  	_ =	strace $0x90000047  }
0x166: {  	s0 =	stileid.u32;
	[bflag:$0x2] =	sbarrier.arrive $0xFFFF  }
0x167: {  	p0 =	sne.s32 s0, $0x0;
	s0 =	rddreg [dreg:$0x4]  }
0x168: {  	s0 =	sadd.s32 @!p0 $0x100000, s0  }
0x169: {  	[sflag:s0] =	ssyncadd.tile.s32 @!p0 $0x1;
	_ =	shalt  }
.Lfunc_end2:
_tile_overlayer_lowered:
.L_overlay_start_2:
0x16a: {  	(tag) =	ssettag $0x2  }
0x16b: {  	s0 =	rddreg [dreg:$0x0];
	s2 =	stileid.u32  }
0x16c: {  	s1 =	rddreg [dreg:$0x1];
	p0 =	sne.s32 s2, $0x0  }
0x16d: {  	s3 =	rddreg [dreg:$0x2];
	[bflag:$0x3] =	sbarrier.arrive $0xFFFF;
	s2 =	simm.s32 @!p0 $0x1C06  }
0x16e: {  	[timem:s3], [sflag:s2] =	dma.local @!p0 [hbm:s0], s1  }
0x16f: {  	s0 =	simm.s32 @!p0 $0x6  }
0x170: {  	_ =	swait.ge @!p0 [sflag:s0], s1  }
0x171: {  	s1 =	ssub.s32 @!p0 $0x0, s1;
	[sflag:s0] =	ssyncset.done @!p0 $0x0  }
0x172: {  	[sflag:s0] =	ssyncadd.s32 @!p0 s1  }
0x173: {  	[bflag:$0x3] =	sbarrier.arrive $0xFFFF  }
0x174: {  	_ =	shalt  }

</sc_bundles>
